<compile_context>
chip_gen: v7x
topology: tpu7x:2x2x1
jax: 0.10.2.dev20260603
libtpu: 0.0.44.dev20260713+nightly
codegen_flags: <defaults>
</compile_context>

<pallas_src>
import functools

import jax
import jax.numpy as jnp
from jax import lax
from jax.experimental import pallas as pl
from jax.experimental.pallas import tpu as pltpu
from jax.experimental.pallas import tpu_sc as plsc

_K = 32768
_C = 4
_N = 65536
_TN = 4096
_TK = 1024
_NKCH = _K // _TK
_NTB = _N // _TN
_BIG = 2**30
_BETA = 0.25

_NFB = 8
_FB = _N // _NFB

_GR = 128
_NGR = _N // _GR


def _argmin_body(xt_ref, ek_ref, codes_ref, bd_ref, bi_ref):
    k = pl.program_id(1)
    xb16 = xt_ref[...]
    ech = ek_ref[0]
    s = lax.dot_general(
        ech, xb16, (((1,), (0,)), ((), ())),
        preferred_element_type=jnp.float32)
    accv = jnp.full((8, _TN), -jnp.inf, jnp.float32)
    acci = jnp.zeros((8, _TN), jnp.int32)
    for v in range(_TK // 8):
        sv = s[v * 8:(v + 1) * 8, :]
        mask = sv > accv
        accv = jnp.where(mask, sv, accv)
        acci = jnp.where(mask, v, acci)
    siota = lax.broadcasted_iota(jnp.int32, (8, _TN), 0)
    bidxc = k * _TK + (acci * 8 + siota)
    prev_d = jnp.where(k == 0, -jnp.inf, bd_ref[...])
    prev_i = jnp.where(k == 0, 0, bi_ref[...])
    better = accv > prev_d
    bd_ref[...] = jnp.where(better, accv, prev_d)
    bi_ref[...] = jnp.where(better, bidxc, prev_i)

    @pl.when(k == _NKCH - 1)
    def _():
        av = bd_ref[...]
        ai = bi_ref[...]
        bfin = jnp.max(av, axis=0)
        codes_ref[0, 0, :] = jnp.min(
            jnp.where(av == bfin[None, :], ai, 2**30), axis=0)


def _codes_call(xt8, e2r):
    return pl.pallas_call(
        _argmin_body,
        grid=(_NTB, _NKCH),
        in_specs=[
            pl.BlockSpec((8, _TN), lambda i, k: (0, i)),
            pl.BlockSpec((1, _TK, 8), lambda i, k: (k, 0, 0)),
        ],
        out_specs=pl.BlockSpec((1, 1, _TN), lambda i, k: (i, 0, 0)),
        out_shape=jax.ShapeDtypeStruct((_NTB, 1, _TN), jnp.int32),
        scratch_shapes=[
            pltpu.VMEM((8, _TN), jnp.float32),
            pltpu.VMEM((8, _TN), jnp.int32),
        ],
    )(xt8, e2r)


def _gather_call(E2, codes_flat):
    info = plsc.get_sparse_core_info()
    nc, ns = info.num_cores, info.num_subcores
    nw = nc * ns
    tpw = _N // nw
    half = _K // 2
    mesh = plsc.VectorSubcoreMesh(core_axis_name="c", subcore_axis_name="s")

    @functools.partial(
        pl.kernel, mesh=mesh,
        compiler_params=pltpu.CompilerParams(use_tc_tiling_on_sc=False, needs_layout_passes=False),
        out_type=jax.ShapeDtypeStruct((nw * _C, tpw), jnp.float32),
        scratch_types=[
            pltpu.VMEM((tpw,), jnp.int32),
            pltpu.VMEM((half * _C // 128, 128), jnp.float32),
            pltpu.VMEM((_C, tpw), jnp.float32),
        ],
    )
    def gather_k(e2_hbm, codes_hbm, out_hbm, codes_v, et, outb):
        wid = lax.axis_index("s") * nc + lax.axis_index("c")
        pltpu.sync_copy(codes_hbm.at[pl.ds(wid * tpw, tpw)], codes_v)
        for p in range(2):
            pltpu.sync_copy(e2_hbm.at[pl.ds(p * (half * _C // 128),
                                            half * _C // 128)], et)

            def body(i, _):
                code = codes_v[pl.ds(i * 16, 16)]
                local = code - p * half
                lc = jnp.minimum(jnp.maximum(local, 0), half - 1)
                valid = (local >= 0) & (local < half)
                row = lc >> 5
                colbase = (lc & 31) * 4
                for c in range(4):
                    g = plsc.load_gather(et, [row, colbase + c])
                    if p == 0:
                        val = jnp.where(valid, g, 0.0)
                    else:
                        val = jnp.where(valid, g, outb[c, pl.ds(i * 16, 16)])
                    outb[c, pl.ds(i * 16, 16)] = val
                return 0

            lax.fori_loop(0, tpw // 16, body, 0)
        pltpu.sync_copy(outb, out_hbm.at[pl.ds(wid * _C, _C)])

    out = gather_k(E2, codes_flat)
    return out.reshape(nw, _C, tpw).transpose(0, 2, 1).reshape(_N, _C)


def _finish_body(xf_ref, zq_ref, zst_ref, q_ref, acc_ref):
    i = pl.program_id(0)
    xb = xf_ref[...]
    diff = zq_ref[...] - xb
    zst_ref[...] = xb + diff
    part = jnp.sum(diff * diff)

    @pl.when(i == 0)
    def _():
        acc_ref[0, 0] = part

    @pl.when(i > 0)
    def _():
        acc_ref[0, 0] += part

    @pl.when(i == _NFB - 1)
    def _():
        m = acc_ref[0, 0] * (1.0 / float(_N * _C))
        q_ref[0, 0] = m + _BETA * m


def _finish_call(xf, zq):
    return pl.pallas_call(
        _finish_body,
        grid=(_NFB,),
        in_specs=[
            pl.BlockSpec((_FB, _C), lambda i: (i, 0)),
            pl.BlockSpec((_FB, _C), lambda i: (i, 0)),
        ],
        out_specs=[
            pl.BlockSpec((_FB, _C), lambda i: (i, 0)),
            pl.BlockSpec(memory_space=pltpu.SMEM),
        ],
        out_shape=[
            jax.ShapeDtypeStruct((_N, _C), jnp.float32),
            jax.ShapeDtypeStruct((1, 1), jnp.float32),
        ],
        scratch_shapes=[pltpu.SMEM((1, 1), jnp.float32)],
    )(xf, zq)


def kernel(x, E):
    b, t, c, h, w = x.shape
    xf = jnp.transpose(x, (0, 1, 3, 4, 2)).reshape(-1, c)
    xt8 = jnp.concatenate(
        [xf.T, -jnp.ones((1, _N), jnp.float32),
         jnp.zeros((3, _N), jnp.float32)], axis=0).astype(jnp.bfloat16)
    esq = jnp.sum(E * E, axis=1).reshape(_NKCH, _TK, 1)
    e2r = jnp.concatenate(
        [(2.0 * E).reshape(_NKCH, _TK, _C), esq,
         jnp.zeros((_NKCH, _TK, 3), jnp.float32)], axis=2)

    codes3 = _codes_call(xt8, e2r)
    codes_flat = codes3.reshape(_N)

    zq_flat = _gather_call(E.reshape(_K * _C // 128, 128), codes_flat)

    zst_flat, q = _finish_call(xf, zq_flat)

    z_q_st = zst_flat.reshape(b, t, h, w, c).transpose(0, 1, 4, 2, 3)
    qloss = jnp.reshape(q, ())
    codes = codes_flat.reshape(b, t, h, w)
    return z_q_st, qloss, codes

# --- scband reference (transcript-rebuilt; emitter-appended) ---
"""Pipeline reference for scband-emu3-vision-vqvector-quantizer-10307921510587 (READ-ONLY COPY).

The authoritative reference and input builder live on the scoring server;
editing this copy changes nothing except your own understanding.
"""

import jax, jax.numpy as jnp
import numpy as np

CODEBOOK_SIZE = 32768
EMBED_DIM = 4
BETA = 0.25


def setup_inputs(seed: int = 0) -> dict:
    key = jax.random.key(seed)
    k1, k2 = jax.random.split(key)
    x = jax.random.normal(k1, (4, 4, 4, 64, 64), dtype=jnp.float32)
    # embedding initialized uniform(-1/K, 1/K) as in torch module
    E = jax.random.uniform(k2, (CODEBOOK_SIZE, EMBED_DIM), dtype=jnp.float32,
                           minval=-1.0 / CODEBOOK_SIZE, maxval=1.0 / CODEBOOK_SIZE)
    return {"x": x, "E": E}


def reference(x, E):
    b, t, c, h, w = x.shape
    x_perm = jnp.transpose(x, (0, 1, 3, 4, 2))
    x_flat = x_perm.reshape(-1, c)
    d = (jnp.sum(x_flat ** 2, axis=1, keepdims=True)
         + jnp.sum(E ** 2, axis=1)
         - 2.0 * jnp.einsum('nc,kc->nk', x_flat, E))
    codes = jnp.argmin(d, axis=1)
    z_q = jnp.take(E, codes, axis=0).reshape(b, t, h, w, c)
    z_q = jnp.transpose(z_q, (0, 1, 4, 2, 3))
    qloss = jnp.mean((jax.lax.stop_gradient(z_q) - x) ** 2) \
        + BETA * jnp.mean((z_q - jax.lax.stop_gradient(x)) ** 2)
    z_q_st = x + jax.lax.stop_gradient(z_q - x)
    codes = codes.reshape(b, t, h, w)
    return z_q_st, qloss, codes

if __name__ == "__main__":
    import jax
    _d = setup_inputs()
    print(jax.jit(kernel)(*tuple(_d.values())))

</pallas_src>

<mosaic_0001>
#map = affine_map<(d0, d1) -> (0, 0)>
#map1 = affine_map<(d0, d1) -> (0)>
module attributes {stable_mosaic.version = 14 : i64} {
  func.func @gather_k(%arg0: i32, %arg1: i32, %arg2: memref<1024x128xf32, #tpu.memory_space<hbm>>, %arg3: memref<65536xi32, #tpu.memory_space<hbm>>, %arg4: memref<128x2048xf32, #tpu.memory_space<hbm>>, %arg5: memref<2048xi32, #tpu.memory_space<vmem>>, %arg6: memref<512x128xf32, #tpu.memory_space<vmem>>, %arg7: memref<4x2048xf32, #tpu.memory_space<vmem>>) attributes {dimension_semantics = [#tpu.dimension_semantics<core_parallel>, #tpu.dimension_semantics<subcore_parallel>], iteration_bounds = array<i64: 2, 16>, scalar_prefetch = 0 : i64, scratch_operands = 3 : i64, tpu.core_type = #tpu.core_type<sc_vector_subcore>, window_params = [{transform_indices = #map}, {transform_indices = #map1}, {transform_indices = #map}]} {
    %mul3A = arith.constant 2 : i32
    %mul3A_0 = arith.muli %arg1, %mul3A : i32
    %add3A = arith.addi %mul3A_0, %arg0 : i32
    %mul3A_1 = arith.constant 2048 : i32
    %mul3A_2 = arith.muli %add3A, %mul3A_1 : i32
    "tpu.region"() ({
      %run_scoped3A = tpu.sem_alloc : memref<!tpu.dma_semaphore, #tpu.memory_space<semaphore_mem>>
      %dma_start3A = tpu.memref_slice %arg3[%mul3A_2] : memref<65536xi32, #tpu.memory_space<hbm>> -> memref<2048xi32, #tpu.memory_space<hbm>>
      %dma_start3A_18 = tpu.memref_slice %arg3[%mul3A_2] : memref<65536xi32, #tpu.memory_space<hbm>> -> memref<2048xi32, #tpu.memory_space<hbm>>
      tpu.enqueue_dma source(%dma_start3A_18 : memref<2048xi32, #tpu.memory_space<hbm>>) target(%arg5 : memref<2048xi32, #tpu.memory_space<vmem>>) target_semaphore(%run_scoped3A : memref<!tpu.dma_semaphore, #tpu.memory_space<semaphore_mem>>)
      %dma_wait3A = tpu.memref_slice %arg3[%mul3A_2] : memref<65536xi32, #tpu.memory_space<hbm>> -> memref<2048xi32, #tpu.memory_space<hbm>>
      %dma_wait3A_19 = tpu.memref_slice %arg3[%mul3A_2] : memref<65536xi32, #tpu.memory_space<hbm>> -> memref<2048xi32, #tpu.memory_space<hbm>>
      tpu.wait_dma2 semaphore(%run_scoped3A : memref<!tpu.dma_semaphore, #tpu.memory_space<semaphore_mem>>) src(%dma_wait3A_19 : memref<2048xi32, #tpu.memory_space<hbm>>) dst(%arg5 : memref<2048xi32, #tpu.memory_space<vmem>>)
      tpu.yield
    }) : () -> ()
    "tpu.region"() ({
      %run_scoped3A = tpu.sem_alloc : memref<!tpu.dma_semaphore, #tpu.memory_space<semaphore_mem>>
      %dma_start3A = arith.constant 0 : i32
      %dma_start3A_18 = arith.constant 0 : i32
      %dma_start3A_19 = tpu.memref_slice %arg2[%dma_start3A, %dma_start3A_18] : memref<1024x128xf32, #tpu.memory_space<hbm>> -> memref<512x128xf32, #tpu.memory_space<hbm>>
      %dma_start3A_20 = arith.constant 0 : i32
      %dma_start3A_21 = arith.constant 0 : i32
      %dma_start3A_22 = tpu.memref_slice %arg2[%dma_start3A_20, %dma_start3A_21] : memref<1024x128xf32, #tpu.memory_space<hbm>> -> memref<512x128xf32, #tpu.memory_space<hbm>>
      tpu.enqueue_dma source(%dma_start3A_22 : memref<512x128xf32, #tpu.memory_space<hbm>>) target(%arg6 : memref<512x128xf32, #tpu.memory_space<vmem>>) target_semaphore(%run_scoped3A : memref<!tpu.dma_semaphore, #tpu.memory_space<semaphore_mem>>)
      %dma_wait3A = arith.constant 0 : i32
      %dma_wait3A_23 = arith.constant 0 : i32
      %dma_wait3A_24 = tpu.memref_slice %arg2[%dma_wait3A, %dma_wait3A_23] : memref<1024x128xf32, #tpu.memory_space<hbm>> -> memref<512x128xf32, #tpu.memory_space<hbm>>
      %dma_wait3A_25 = arith.constant 0 : i32
      %dma_wait3A_26 = arith.constant 0 : i32
      %dma_wait3A_27 = tpu.memref_slice %arg2[%dma_wait3A_25, %dma_wait3A_26] : memref<1024x128xf32, #tpu.memory_space<hbm>> -> memref<512x128xf32, #tpu.memory_space<hbm>>
      tpu.wait_dma2 semaphore(%run_scoped3A : memref<!tpu.dma_semaphore, #tpu.memory_space<semaphore_mem>>) src(%dma_wait3A_27 : memref<512x128xf32, #tpu.memory_space<hbm>>) dst(%arg6 : memref<512x128xf32, #tpu.memory_space<vmem>>)
      tpu.yield
    }) : () -> ()
    %scan3A = arith.constant 0 : i32
    %scan3A_3 = arith.constant 0 : i32
    %scan3A_4 = arith.constant 128 : i32
    %scan3A_5 = arith.addi %scan3A_3, %scan3A_4 : i32
    %scan3A_6 = arith.constant 1 : i32
    %scan3A_7 = scf.for %scan3A_18 = %scan3A_3 to %scan3A_5 step %scan3A_6 iter_args(%scan3A_19 = %scan3A) -> (i32)  : i32 {
      %mul3A_20 = arith.constant 16 : i32
      %mul3A_21 = arith.muli %scan3A_18, %mul3A_20 : i32
      %get3A = arith.index_cast %mul3A_21 : i32 to index
      %get3A_22 = tpu.vector_load %arg5[%get3A] {strides = array<i32>} : memref<2048xi32, #tpu.memory_space<vmem>>, vector<16xi32>,
      %sub3A = arith.constant 0 : i32
      %sub3A_23 = vector.broadcast %sub3A : i32 to vector<16xi32>
      %sub3A_24 = arith.subi %get3A_22, %sub3A_23 : vector<16xi32>
      %max3A = arith.constant 0 : i32
      %max3A_25 = vector.broadcast %max3A : i32 to vector<16xi32>
      %max3A_26 = arith.maxsi %sub3A_24, %max3A_25 : vector<16xi32>
      %min3A = arith.constant 16383 : i32
      %min3A_27 = vector.broadcast %min3A : i32 to vector<16xi32>
      %min3A_28 = arith.minsi %max3A_26, %min3A_27 : vector<16xi32>
      %ge3A = arith.constant 0 : i32
      %ge3A_29 = vector.broadcast %ge3A : i32 to vector<16xi32>
      %ge3A_30 = arith.cmpi sge, %sub3A_24, %ge3A_29 : vector<16xi32>
      %lt3A = arith.constant 16384 : i32
      %lt3A_31 = vector.broadcast %lt3A : i32 to vector<16xi32>
      %lt3A_32 = arith.cmpi slt, %sub3A_24, %lt3A_31 : vector<16xi32>
      %and3A = arith.andi %ge3A_30, %lt3A_32 : vector<16xi1>
      %shift_right_arithmetic3A = arith.constant 5 : i32
      %shift_right_arithmetic3A_33 = vector.broadcast %shift_right_arithmetic3A : i32 to vector<16xi32>
      %shift_right_arithmetic3A_34 = arith.shrsi %min3A_28, %shift_right_arithmetic3A_33 : vector<16xi32>
      %and3A_35 = arith.constant 31 : i32
      %and3A_36 = vector.broadcast %and3A_35 : i32 to vector<16xi32>
      %and3A_37 = arith.andi %min3A_28, %and3A_36 : vector<16xi32>
      %mul3A_38 = arith.constant 4 : i32
      %mul3A_39 = vector.broadcast %mul3A_38 : i32 to vector<16xi32>
      %mul3A_40 = arith.muli %and3A_37, %mul3A_39 : vector<16xi32>
      %add3A_41 = arith.constant 0 : i32
      %add3A_42 = vector.broadcast %add3A_41 : i32 to vector<16xi32>
      %add3A_43 = arith.addi %mul3A_40, %add3A_42 : vector<16xi32>
      %gather3A = tpu.vector_load_idx %arg6[%shift_right_arithmetic3A_34, %add3A_43] : memref<512x128xf32, #tpu.memory_space<vmem>>[vector<16xi32>, vector<16xi32>], vector<16xf32>,
      %jit3A = arith.constant 0.000000e+00 : f32
      %broadcast_in_dim3A = vector.broadcast %jit3A : f32 to vector<16xf32>
      %select_n3A = arith.select %and3A, %gather3A, %broadcast_in_dim3A : vector<16xi1>, vector<16xf32>
      %mul3A_44 = arith.constant 16 : i32
      %mul3A_45 = arith.muli %scan3A_18, %mul3A_44 : i32
      %swap3A = arith.constant 0 : i32
      %swap3A_46 = arith.index_cast %swap3A : i32 to index
      %swap3A_47 = arith.index_cast %mul3A_45 : i32 to index
      %swap3A_48 = tpu.vector_load %arg7[%swap3A_46, %swap3A_47] {strides = array<i32>} : memref<4x2048xf32, #tpu.memory_space<vmem>>, vector<16xf32>,
      tpu.vector_store %arg7[%swap3A_46, %swap3A_47], %select_n3A {strides = array<i32>} : memref<4x2048xf32, #tpu.memory_space<vmem>>, vector<16xf32>,
      %add3A_49 = arith.constant 1 : i32
      %add3A_50 = vector.broadcast %add3A_49 : i32 to vector<16xi32>
      %add3A_51 = arith.addi %mul3A_40, %add3A_50 : vector<16xi32>
      %gather3A_52 = tpu.vector_load_idx %arg6[%shift_right_arithmetic3A_34, %add3A_51] : memref<512x128xf32, #tpu.memory_space<vmem>>[vector<16xi32>, vector<16xi32>], vector<16xf32>,
      %jit3A_53 = arith.constant 0.000000e+00 : f32
      %broadcast_in_dim3A_54 = vector.broadcast %jit3A_53 : f32 to vector<16xf32>
      %select_n3A_55 = arith.select %and3A, %gather3A_52, %broadcast_in_dim3A_54 : vector<16xi1>, vector<16xf32>
      %mul3A_56 = arith.constant 16 : i32
      %mul3A_57 = arith.muli %scan3A_18, %mul3A_56 : i32
      %swap3A_58 = arith.constant 1 : i32
      %swap3A_59 = arith.index_cast %swap3A_58 : i32 to index
      %swap3A_60 = arith.index_cast %mul3A_57 : i32 to index
      %swap3A_61 = tpu.vector_load %arg7[%swap3A_59, %swap3A_60] {strides = array<i32>} : memref<4x2048xf32, #tpu.memory_space<vmem>>, vector<16xf32>,
      tpu.vector_store %arg7[%swap3A_59, %swap3A_60], %select_n3A_55 {strides = array<i32>} : memref<4x2048xf32, #tpu.memory_space<vmem>>, vector<16xf32>,
      %add3A_62 = arith.constant 2 : i32
      %add3A_63 = vector.broadcast %add3A_62 : i32 to vector<16xi32>
      %add3A_64 = arith.addi %mul3A_40, %add3A_63 : vector<16xi32>
      %gather3A_65 = tpu.vector_load_idx %arg6[%shift_right_arithmetic3A_34, %add3A_64] : memref<512x128xf32, #tpu.memory_space<vmem>>[vector<16xi32>, vector<16xi32>], vector<16xf32>,
      %jit3A_66 = arith.constant 0.000000e+00 : f32
      %broadcast_in_dim3A_67 = vector.broadcast %jit3A_66 : f32 to vector<16xf32>
      %select_n3A_68 = arith.select %and3A, %gather3A_65, %broadcast_in_dim3A_67 : vector<16xi1>, vector<16xf32>
      %mul3A_69 = arith.constant 16 : i32
      %mul3A_70 = arith.muli %scan3A_18, %mul3A_69 : i32
      %swap3A_71 = arith.constant 2 : i32
      %swap3A_72 = arith.index_cast %swap3A_71 : i32 to index
      %swap3A_73 = arith.index_cast %mul3A_70 : i32 to index
      %swap3A_74 = tpu.vector_load %arg7[%swap3A_72, %swap3A_73] {strides = array<i32>} : memref<4x2048xf32, #tpu.memory_space<vmem>>, vector<16xf32>,
      tpu.vector_store %arg7[%swap3A_72, %swap3A_73], %select_n3A_68 {strides = array<i32>} : memref<4x2048xf32, #tpu.memory_space<vmem>>, vector<16xf32>,
      %add3A_75 = arith.constant 3 : i32
      %add3A_76 = vector.broadcast %add3A_75 : i32 to vector<16xi32>
      %add3A_77 = arith.addi %mul3A_40, %add3A_76 : vector<16xi32>
      %gather3A_78 = tpu.vector_load_idx %arg6[%shift_right_arithmetic3A_34, %add3A_77] : memref<512x128xf32, #tpu.memory_space<vmem>>[vector<16xi32>, vector<16xi32>], vector<16xf32>,
      %jit3A_79 = arith.constant 0.000000e+00 : f32
      %broadcast_in_dim3A_80 = vector.broadcast %jit3A_79 : f32 to vector<16xf32>
      %select_n3A_81 = arith.select %and3A, %gather3A_78, %broadcast_in_dim3A_80 : vector<16xi1>, vector<16xf32>
      %mul3A_82 = arith.constant 16 : i32
      %mul3A_83 = arith.muli %scan3A_18, %mul3A_82 : i32
      %swap3A_84 = arith.constant 3 : i32
      %swap3A_85 = arith.index_cast %swap3A_84 : i32 to index
      %swap3A_86 = arith.index_cast %mul3A_83 : i32 to index
      %swap3A_87 = tpu.vector_load %arg7[%swap3A_85, %swap3A_86] {strides = array<i32>} : memref<4x2048xf32, #tpu.memory_space<vmem>>, vector<16xf32>,
      tpu.vector_store %arg7[%swap3A_85, %swap3A_86], %select_n3A_81 {strides = array<i32>} : memref<4x2048xf32, #tpu.memory_space<vmem>>, vector<16xf32>,
      %scan3A_88 = arith.constant 0 : i32
      scf.yield %scan3A_88 : i32
    }
    %scan3A_8 = arith.constant 128 : i32
    "tpu.region"() ({
      %run_scoped3A = tpu.sem_alloc : memref<!tpu.dma_semaphore, #tpu.memory_space<semaphore_mem>>
      %dma_start3A = arith.constant 512 : i32
      %dma_start3A_18 = arith.constant 0 : i32
      %dma_start3A_19 = tpu.memref_slice %arg2[%dma_start3A, %dma_start3A_18] : memref<1024x128xf32, #tpu.memory_space<hbm>> -> memref<512x128xf32, #tpu.memory_space<hbm>>
      %dma_start3A_20 = arith.constant 512 : i32
      %dma_start3A_21 = arith.constant 0 : i32
      %dma_start3A_22 = tpu.memref_slice %arg2[%dma_start3A_20, %dma_start3A_21] : memref<1024x128xf32, #tpu.memory_space<hbm>> -> memref<512x128xf32, #tpu.memory_space<hbm>>
      tpu.enqueue_dma source(%dma_start3A_22 : memref<512x128xf32, #tpu.memory_space<hbm>>) target(%arg6 : memref<512x128xf32, #tpu.memory_space<vmem>>) target_semaphore(%run_scoped3A : memref<!tpu.dma_semaphore, #tpu.memory_space<semaphore_mem>>)
      %dma_wait3A = arith.constant 512 : i32
      %dma_wait3A_23 = arith.constant 0 : i32
      %dma_wait3A_24 = tpu.memref_slice %arg2[%dma_wait3A, %dma_wait3A_23] : memref<1024x128xf32, #tpu.memory_space<hbm>> -> memref<512x128xf32, #tpu.memory_space<hbm>>
      %dma_wait3A_25 = arith.constant 512 : i32
      %dma_wait3A_26 = arith.constant 0 : i32
      %dma_wait3A_27 = tpu.memref_slice %arg2[%dma_wait3A_25, %dma_wait3A_26] : memref<1024x128xf32, #tpu.memory_space<hbm>> -> memref<512x128xf32, #tpu.memory_space<hbm>>
      tpu.wait_dma2 semaphore(%run_scoped3A : memref<!tpu.dma_semaphore, #tpu.memory_space<semaphore_mem>>) src(%dma_wait3A_27 : memref<512x128xf32, #tpu.memory_space<hbm>>) dst(%arg6 : memref<512x128xf32, #tpu.memory_space<vmem>>)
      tpu.yield
    }) : () -> ()
    %scan3A_9 = arith.constant 0 : i32
    %scan3A_10 = arith.constant 0 : i32
    %scan3A_11 = arith.constant 128 : i32
    %scan3A_12 = arith.addi %scan3A_10, %scan3A_11 : i32
    %scan3A_13 = arith.constant 1 : i32
    %scan3A_14 = scf.for %scan3A_18 = %scan3A_10 to %scan3A_12 step %scan3A_13 iter_args(%scan3A_19 = %scan3A_9) -> (i32)  : i32 {
      %mul3A_20 = arith.constant 16 : i32
      %mul3A_21 = arith.muli %scan3A_18, %mul3A_20 : i32
      %get3A = arith.index_cast %mul3A_21 : i32 to index
      %get3A_22 = tpu.vector_load %arg5[%get3A] {strides = array<i32>} : memref<2048xi32, #tpu.memory_space<vmem>>, vector<16xi32>,
      %sub3A = arith.constant 16384 : i32
      %sub3A_23 = vector.broadcast %sub3A : i32 to vector<16xi32>
      %sub3A_24 = arith.subi %get3A_22, %sub3A_23 : vector<16xi32>
      %max3A = arith.constant 0 : i32
      %max3A_25 = vector.broadcast %max3A : i32 to vector<16xi32>
      %max3A_26 = arith.maxsi %sub3A_24, %max3A_25 : vector<16xi32>
      %min3A = arith.constant 16383 : i32
      %min3A_27 = vector.broadcast %min3A : i32 to vector<16xi32>
      %min3A_28 = arith.minsi %max3A_26, %min3A_27 : vector<16xi32>
      %ge3A = arith.constant 0 : i32
      %ge3A_29 = vector.broadcast %ge3A : i32 to vector<16xi32>
      %ge3A_30 = arith.cmpi sge, %sub3A_24, %ge3A_29 : vector<16xi32>
      %lt3A = arith.constant 16384 : i32
      %lt3A_31 = vector.broadcast %lt3A : i32 to vector<16xi32>
      %lt3A_32 = arith.cmpi slt, %sub3A_24, %lt3A_31 : vector<16xi32>
      %and3A = arith.andi %ge3A_30, %lt3A_32 : vector<16xi1>
      %shift_right_arithmetic3A = arith.constant 5 : i32
      %shift_right_arithmetic3A_33 = vector.broadcast %shift_right_arithmetic3A : i32 to vector<16xi32>
      %shift_right_arithmetic3A_34 = arith.shrsi %min3A_28, %shift_right_arithmetic3A_33 : vector<16xi32>
      %and3A_35 = arith.constant 31 : i32
      %and3A_36 = vector.broadcast %and3A_35 : i32 to vector<16xi32>
      %and3A_37 = arith.andi %min3A_28, %and3A_36 : vector<16xi32>
      %mul3A_38 = arith.constant 4 : i32
      %mul3A_39 = vector.broadcast %mul3A_38 : i32 to vector<16xi32>
      %mul3A_40 = arith.muli %and3A_37, %mul3A_39 : vector<16xi32>
      %add3A_41 = arith.constant 0 : i32
      %add3A_42 = vector.broadcast %add3A_41 : i32 to vector<16xi32>
      %add3A_43 = arith.addi %mul3A_40, %add3A_42 : vector<16xi32>
      %gather3A = tpu.vector_load_idx %arg6[%shift_right_arithmetic3A_34, %add3A_43] : memref<512x128xf32, #tpu.memory_space<vmem>>[vector<16xi32>, vector<16xi32>], vector<16xf32>,
      %mul3A_44 = arith.constant 16 : i32
      %mul3A_45 = arith.muli %scan3A_18, %mul3A_44 : i32
      %get3A_46 = arith.constant 0 : i32
      %get3A_47 = arith.index_cast %get3A_46 : i32 to index
      %get3A_48 = arith.index_cast %mul3A_45 : i32 to index
      %get3A_49 = tpu.vector_load %arg7[%get3A_47, %get3A_48] {strides = array<i32>} : memref<4x2048xf32, #tpu.memory_space<vmem>>, vector<16xf32>,
      %select_n3A = arith.select %and3A, %gather3A, %get3A_49 : vector<16xi1>, vector<16xf32>
      %mul3A_50 = arith.constant 16 : i32
      %mul3A_51 = arith.muli %scan3A_18, %mul3A_50 : i32
      %swap3A = arith.constant 0 : i32
      %swap3A_52 = arith.index_cast %swap3A : i32 to index
      %swap3A_53 = arith.index_cast %mul3A_51 : i32 to index
      %swap3A_54 = tpu.vector_load %arg7[%swap3A_52, %swap3A_53] {strides = array<i32>} : memref<4x2048xf32, #tpu.memory_space<vmem>>, vector<16xf32>,
      tpu.vector_store %arg7[%swap3A_52, %swap3A_53], %select_n3A {strides = array<i32>} : memref<4x2048xf32, #tpu.memory_space<vmem>>, vector<16xf32>,
      %add3A_55 = arith.constant 1 : i32
      %add3A_56 = vector.broadcast %add3A_55 : i32 to vector<16xi32>
      %add3A_57 = arith.addi %mul3A_40, %add3A_56 : vector<16xi32>
      %gather3A_58 = tpu.vector_load_idx %arg6[%shift_right_arithmetic3A_34, %add3A_57] : memref<512x128xf32, #tpu.memory_space<vmem>>[vector<16xi32>, vector<16xi32>], vector<16xf32>,
      %mul3A_59 = arith.constant 16 : i32
      %mul3A_60 = arith.muli %scan3A_18, %mul3A_59 : i32
      %get3A_61 = arith.constant 1 : i32
      %get3A_62 = arith.index_cast %get3A_61 : i32 to index
      %get3A_63 = arith.index_cast %mul3A_60 : i32 to index
      %get3A_64 = tpu.vector_load %arg7[%get3A_62, %get3A_63] {strides = array<i32>} : memref<4x2048xf32, #tpu.memory_space<vmem>>, vector<16xf32>,
      %select_n3A_65 = arith.select %and3A, %gather3A_58, %get3A_64 : vector<16xi1>, vector<16xf32>
      %mul3A_66 = arith.constant 16 : i32
      %mul3A_67 = arith.muli %scan3A_18, %mul3A_66 : i32
      %swap3A_68 = arith.constant 1 : i32
      %swap3A_69 = arith.index_cast %swap3A_68 : i32 to index
      %swap3A_70 = arith.index_cast %mul3A_67 : i32 to index
      %swap3A_71 = tpu.vector_load %arg7[%swap3A_69, %swap3A_70] {strides = array<i32>} : memref<4x2048xf32, #tpu.memory_space<vmem>>, vector<16xf32>,
      tpu.vector_store %arg7[%swap3A_69, %swap3A_70], %select_n3A_65 {strides = array<i32>} : memref<4x2048xf32, #tpu.memory_space<vmem>>, vector<16xf32>,
      %add3A_72 = arith.constant 2 : i32
      %add3A_73 = vector.broadcast %add3A_72 : i32 to vector<16xi32>
      %add3A_74 = arith.addi %mul3A_40, %add3A_73 : vector<16xi32>
      %gather3A_75 = tpu.vector_load_idx %arg6[%shift_right_arithmetic3A_34, %add3A_74] : memref<512x128xf32, #tpu.memory_space<vmem>>[vector<16xi32>, vector<16xi32>], vector<16xf32>,
      %mul3A_76 = arith.constant 16 : i32
      %mul3A_77 = arith.muli %scan3A_18, %mul3A_76 : i32
      %get3A_78 = arith.constant 2 : i32
      %get3A_79 = arith.index_cast %get3A_78 : i32 to index
      %get3A_80 = arith.index_cast %mul3A_77 : i32 to index
      %get3A_81 = tpu.vector_load %arg7[%get3A_79, %get3A_80] {strides = array<i32>} : memref<4x2048xf32, #tpu.memory_space<vmem>>, vector<16xf32>,
      %select_n3A_82 = arith.select %and3A, %gather3A_75, %get3A_81 : vector<16xi1>, vector<16xf32>
      %mul3A_83 = arith.constant 16 : i32
      %mul3A_84 = arith.muli %scan3A_18, %mul3A_83 : i32
      %swap3A_85 = arith.constant 2 : i32
      %swap3A_86 = arith.index_cast %swap3A_85 : i32 to index
      %swap3A_87 = arith.index_cast %mul3A_84 : i32 to index
      %swap3A_88 = tpu.vector_load %arg7[%swap3A_86, %swap3A_87] {strides = array<i32>} : memref<4x2048xf32, #tpu.memory_space<vmem>>, vector<16xf32>,
      tpu.vector_store %arg7[%swap3A_86, %swap3A_87], %select_n3A_82 {strides = array<i32>} : memref<4x2048xf32, #tpu.memory_space<vmem>>, vector<16xf32>,
      %add3A_89 = arith.constant 3 : i32
      %add3A_90 = vector.broadcast %add3A_89 : i32 to vector<16xi32>
      %add3A_91 = arith.addi %mul3A_40, %add3A_90 : vector<16xi32>
      %gather3A_92 = tpu.vector_load_idx %arg6[%shift_right_arithmetic3A_34, %add3A_91] : memref<512x128xf32, #tpu.memory_space<vmem>>[vector<16xi32>, vector<16xi32>], vector<16xf32>,
      %mul3A_93 = arith.constant 16 : i32
      %mul3A_94 = arith.muli %scan3A_18, %mul3A_93 : i32
      %get3A_95 = arith.constant 3 : i32
      %get3A_96 = arith.index_cast %get3A_95 : i32 to index
      %get3A_97 = arith.index_cast %mul3A_94 : i32 to index
      %get3A_98 = tpu.vector_load %arg7[%get3A_96, %get3A_97] {strides = array<i32>} : memref<4x2048xf32, #tpu.memory_space<vmem>>, vector<16xf32>,
      %select_n3A_99 = arith.select %and3A, %gather3A_92, %get3A_98 : vector<16xi1>, vector<16xf32>
      %mul3A_100 = arith.constant 16 : i32
      %mul3A_101 = arith.muli %scan3A_18, %mul3A_100 : i32
      %swap3A_102 = arith.constant 3 : i32
      %swap3A_103 = arith.index_cast %swap3A_102 : i32 to index
      %swap3A_104 = arith.index_cast %mul3A_101 : i32 to index
      %swap3A_105 = tpu.vector_load %arg7[%swap3A_103, %swap3A_104] {strides = array<i32>} : memref<4x2048xf32, #tpu.memory_space<vmem>>, vector<16xf32>,
      tpu.vector_store %arg7[%swap3A_103, %swap3A_104], %select_n3A_99 {strides = array<i32>} : memref<4x2048xf32, #tpu.memory_space<vmem>>, vector<16xf32>,
      %scan3A_106 = arith.constant 0 : i32
      scf.yield %scan3A_106 : i32
    }
    %scan3A_15 = arith.constant 128 : i32
    %mul3A_16 = arith.constant 4 : i32
    %mul3A_17 = arith.muli %add3A, %mul3A_16 : i32
    "tpu.region"() ({
      %run_scoped3A = tpu.sem_alloc : memref<!tpu.dma_semaphore, #tpu.memory_space<semaphore_mem>>
      %dma_start3A = arith.constant 0 : i32
      %dma_start3A_18 = tpu.memref_slice %arg4[%mul3A_17, %dma_start3A] : memref<128x2048xf32, #tpu.memory_space<hbm>> -> memref<4x2048xf32, #tpu.memory_space<hbm>>
      %dma_start3A_19 = arith.constant 0 : i32
      %dma_start3A_20 = tpu.memref_slice %arg4[%mul3A_17, %dma_start3A_19] : memref<128x2048xf32, #tpu.memory_space<hbm>> -> memref<4x2048xf32, #tpu.memory_space<hbm>>
      tpu.enqueue_dma source(%arg7 : memref<4x2048xf32, #tpu.memory_space<vmem>>) target(%dma_start3A_20 : memref<4x2048xf32, #tpu.memory_space<hbm>>) target_semaphore(%run_scoped3A : memref<!tpu.dma_semaphore, #tpu.memory_space<semaphore_mem>>)
      %dma_wait3A = arith.constant 0 : i32
      %dma_wait3A_21 = tpu.memref_slice %arg4[%mul3A_17, %dma_wait3A] : memref<128x2048xf32, #tpu.memory_space<hbm>> -> memref<4x2048xf32, #tpu.memory_space<hbm>>
      %dma_wait3A_22 = arith.constant 0 : i32
      %dma_wait3A_23 = tpu.memref_slice %arg4[%mul3A_17, %dma_wait3A_22] : memref<128x2048xf32, #tpu.memory_space<hbm>> -> memref<4x2048xf32, #tpu.memory_space<hbm>>
      tpu.wait_dma2 semaphore(%run_scoped3A : memref<!tpu.dma_semaphore, #tpu.memory_space<semaphore_mem>>) src(%arg7 : memref<4x2048xf32, #tpu.memory_space<vmem>>) dst(%dma_wait3A_23 : memref<4x2048xf32, #tpu.memory_space<hbm>>)
      tpu.yield
    }) : () -> ()
    return
  }
}

module attributes {stable_mosaic.version = 14 : i64} {
  func.func @_argmin_body(%arg0: i32, %arg1: i32, %arg2: memref<8x4096xbf16, #tpu.memory_space<vmem>>, %arg3: memref<1x1024x8xf32, #tpu.memory_space<vmem>>, %arg4: memref<1x1x4096xi32, #tpu.memory_space<vmem>>, %arg5: memref<8x4096xf32, #tpu.memory_space<vmem>>, %arg6: memref<8x4096xi32, #tpu.memory_space<vmem>>) attributes {dimension_semantics = [#tpu.dimension_semantics<arbitrary>, #tpu.dimension_semantics<arbitrary>], iteration_bounds = array<i64: 16, 32>, scalar_prefetch = 0 : i64, scratch_operands = 2 : i64, tpu.core_type = #tpu.core_type<tc>, window_params = [{transform_indices = @transform_0, window_bounds = array<i64: 8, 4096>}, {transform_indices = @transform_1, window_bounds = array<i64: 1, 1024, 8>}, {transform_indices = @transform_2, window_bounds = array<i64: 1, 1, 4096>}]} {
    %get3A = arith.constant 0 : index
    %get3A_0 = arith.constant 0 : index
    %get3A_1 = vector.load %arg2[%get3A, %get3A_0] : memref<8x4096xbf16, #tpu.memory_space<vmem>>, vector<8x4096xbf16>
    %get3A_2 = arith.constant 0 : index
    %get3A_3 = arith.constant 0 : index
    %get3A_4 = arith.constant 0 : index
    %get3A_5 = vector.load %arg3[%get3A_2, %get3A_3, %get3A_4] : memref<1x1024x8xf32, #tpu.memory_space<vmem>>, vector<1x1024x8xf32>
    %get3A_6 = vector.shape_cast %get3A_5 : vector<1x1024x8xf32> to vector<1024x8xf32>
    %dot_general3A = arith.constant dense<0.000000e+00> : vector<1024x4096xf32>
    %dot_general3A_7 = tpu.matmul %get3A_6, %get3A_1, %dot_general3A {dimension_numbers = #tpu.dot_dimension_numbers<[1], [0], [0], [1], [0, 0, 1, 1], [], []>, transpose_lhs_hint = false} : vector<1024x8xf32>, vector<8x4096xbf16>, vector<1024x4096xf32> -> vector<1024x4096xf32>
    %broadcast_in_dim3A = arith.constant 0xFF800000 : f32
    %broadcast_in_dim3A_8 = vector.broadcast %broadcast_in_dim3A : f32 to vector<8x4096xf32>
    %broadcast_in_dim3A_9 = arith.constant 0 : i32
    %broadcast_in_dim3A_10 = vector.broadcast %broadcast_in_dim3A_9 : i32 to vector<8x4096xi32>
    %slice3A = vector.extract_strided_slice %dot_general3A_7 {offsets = [0, 0], sizes = [8, 4096], strides = [1, 1]} : vector<1024x4096xf32> to vector<8x4096xf32>
    %gt3A = arith.cmpf ogt, %slice3A, %broadcast_in_dim3A_8 : vector<8x4096xf32>
    %select_n3A = arith.select %gt3A, %slice3A, %broadcast_in_dim3A_8 : vector<8x4096xi1>, vector<8x4096xf32>
    %jit3A = arith.constant 0 : i32
    %broadcast_in_dim3A_11 = vector.broadcast %jit3A : i32 to vector<8x4096xi32>
    %select_n3A_12 = arith.select %gt3A, %broadcast_in_dim3A_11, %broadcast_in_dim3A_10 : vector<8x4096xi1>, vector<8x4096xi32>
    %slice3A_13 = vector.extract_strided_slice %dot_general3A_7 {offsets = [8, 0], sizes = [8, 4096], strides = [1, 1]} : vector<1024x4096xf32> to vector<8x4096xf32>
    %gt3A_14 = arith.cmpf ogt, %slice3A_13, %select_n3A : vector<8x4096xf32>
    %select_n3A_15 = arith.select %gt3A_14, %slice3A_13, %select_n3A : vector<8x4096xi1>, vector<8x4096xf32>
    %jit3A_16 = arith.constant 1 : i32
    %broadcast_in_dim3A_17 = vector.broadcast %jit3A_16 : i32 to vector<8x4096xi32>
    %select_n3A_18 = arith.select %gt3A_14, %broadcast_in_dim3A_17, %select_n3A_12 : vector<8x4096xi1>, vector<8x4096xi32>
    %slice3A_19 = vector.extract_strided_slice %dot_general3A_7 {offsets = [16, 0], sizes = [8, 4096], strides = [1, 1]} : vector<1024x4096xf32> to vector<8x4096xf32>
    %gt3A_20 = arith.cmpf ogt, %slice3A_19, %select_n3A_15 : vector<8x4096xf32>
    %select_n3A_21 = arith.select %gt3A_20, %slice3A_19, %select_n3A_15 : vector<8x4096xi1>, vector<8x4096xf32>
    %jit3A_22 = arith.constant 2 : i32
    %broadcast_in_dim3A_23 = vector.broadcast %jit3A_22 : i32 to vector<8x4096xi32>
    %select_n3A_24 = arith.select %gt3A_20, %broadcast_in_dim3A_23, %select_n3A_18 : vector<8x4096xi1>, vector<8x4096xi32>
    %slice3A_25 = vector.extract_strided_slice %dot_general3A_7 {offsets = [24, 0], sizes = [8, 4096], strides = [1, 1]} : vector<1024x4096xf32> to vector<8x4096xf32>
    %gt3A_26 = arith.cmpf ogt, %slice3A_25, %select_n3A_21 : vector<8x4096xf32>
    %select_n3A_27 = arith.select %gt3A_26, %slice3A_25, %select_n3A_21 : vector<8x4096xi1>, vector<8x4096xf32>
    %jit3A_28 = arith.constant 3 : i32
    %broadcast_in_dim3A_29 = vector.broadcast %jit3A_28 : i32 to vector<8x4096xi32>
    %select_n3A_30 = arith.select %gt3A_26, %broadcast_in_dim3A_29, %select_n3A_24 : vector<8x4096xi1>, vector<8x4096xi32>
    %slice3A_31 = vector.extract_strided_slice %dot_general3A_7 {offsets = [32, 0], sizes = [8, 4096], strides = [1, 1]} : vector<1024x4096xf32> to vector<8x4096xf32>
    %gt3A_32 = arith.cmpf ogt, %slice3A_31, %select_n3A_27 : vector<8x4096xf32>
    %select_n3A_33 = arith.select %gt3A_32, %slice3A_31, %select_n3A_27 : vector<8x4096xi1>, vector<8x4096xf32>
    %jit3A_34 = arith.constant 4 : i32
    %broadcast_in_dim3A_35 = vector.broadcast %jit3A_34 : i32 to vector<8x4096xi32>
    %select_n3A_36 = arith.select %gt3A_32, %broadcast_in_dim3A_35, %select_n3A_30 : vector<8x4096xi1>, vector<8x4096xi32>
    %slice3A_37 = vector.extract_strided_slice %dot_general3A_7 {offsets = [40, 0], sizes = [8, 4096], strides = [1, 1]} : vector<1024x4096xf32> to vector<8x4096xf32>
    %gt3A_38 = arith.cmpf ogt, %slice3A_37, %select_n3A_33 : vector<8x4096xf32>
    %select_n3A_39 = arith.select %gt3A_38, %slice3A_37, %select_n3A_33 : vector<8x4096xi1>, vector<8x4096xf32>
    %jit3A_40 = arith.constant 5 : i32
    %broadcast_in_dim3A_41 = vector.broadcast %jit3A_40 : i32 to vector<8x4096xi32>
    %select_n3A_42 = arith.select %gt3A_38, %broadcast_in_dim3A_41, %select_n3A_36 : vector<8x4096xi1>, vector<8x4096xi32>
    %slice3A_43 = vector.extract_strided_slice %dot_general3A_7 {offsets = [48, 0], sizes = [8, 4096], strides = [1, 1]} : vector<1024x4096xf32> to vector<8x4096xf32>
    %gt3A_44 = arith.cmpf ogt, %slice3A_43, %select_n3A_39 : vector<8x4096xf32>
    %select_n3A_45 = arith.select %gt3A_44, %slice3A_43, %select_n3A_39 : vector<8x4096xi1>, vector<8x4096xf32>
    %jit3A_46 = arith.constant 6 : i32
    %broadcast_in_dim3A_47 = vector.broadcast %jit3A_46 : i32 to vector<8x4096xi32>
    %select_n3A_48 = arith.select %gt3A_44, %broadcast_in_dim3A_47, %select_n3A_42 : vector<8x4096xi1>, vector<8x4096xi32>
    %slice3A_49 = vector.extract_strided_slice %dot_general3A_7 {offsets = [56, 0], sizes = [8, 4096], strides = [1, 1]} : vector<1024x4096xf32> to vector<8x4096xf32>
    %gt3A_50 = arith.cmpf ogt, %slice3A_49, %select_n3A_45 : vector<8x4096xf32>
    %select_n3A_51 = arith.select %gt3A_50, %slice3A_49, %select_n3A_45 : vector<8x4096xi1>, vector<8x4096xf32>
    %jit3A_52 = arith.constant 7 : i32
    %broadcast_in_dim3A_53 = vector.broadcast %jit3A_52 : i32 to vector<8x4096xi32>
    %select_n3A_54 = arith.select %gt3A_50, %broadcast_in_dim3A_53, %select_n3A_48 : vector<8x4096xi1>, vector<8x4096xi32>
    %slice3A_55 = vector.extract_strided_slice %dot_general3A_7 {offsets = [64, 0], sizes = [8, 4096], strides = [1, 1]} : vector<1024x4096xf32> to vector<8x4096xf32>
    %gt3A_56 = arith.cmpf ogt, %slice3A_55, %select_n3A_51 : vector<8x4096xf32>
    %select_n3A_57 = arith.select %gt3A_56, %slice3A_55, %select_n3A_51 : vector<8x4096xi1>, vector<8x4096xf32>
    %jit3A_58 = arith.constant 8 : i32
    %broadcast_in_dim3A_59 = vector.broadcast %jit3A_58 : i32 to vector<8x4096xi32>
    %select_n3A_60 = arith.select %gt3A_56, %broadcast_in_dim3A_59, %select_n3A_54 : vector<8x4096xi1>, vector<8x4096xi32>
    %slice3A_61 = vector.extract_strided_slice %dot_general3A_7 {offsets = [72, 0], sizes = [8, 4096], strides = [1, 1]} : vector<1024x4096xf32> to vector<8x4096xf32>
    %gt3A_62 = arith.cmpf ogt, %slice3A_61, %select_n3A_57 : vector<8x4096xf32>
    %select_n3A_63 = arith.select %gt3A_62, %slice3A_61, %select_n3A_57 : vector<8x4096xi1>, vector<8x4096xf32>
    %jit3A_64 = arith.constant 9 : i32
    %broadcast_in_dim3A_65 = vector.broadcast %jit3A_64 : i32 to vector<8x4096xi32>
    %select_n3A_66 = arith.select %gt3A_62, %broadcast_in_dim3A_65, %select_n3A_60 : vector<8x4096xi1>, vector<8x4096xi32>
    %slice3A_67 = vector.extract_strided_slice %dot_general3A_7 {offsets = [80, 0], sizes = [8, 4096], strides = [1, 1]} : vector<1024x4096xf32> to vector<8x4096xf32>
    %gt3A_68 = arith.cmpf ogt, %slice3A_67, %select_n3A_63 : vector<8x4096xf32>
    %select_n3A_69 = arith.select %gt3A_68, %slice3A_67, %select_n3A_63 : vector<8x4096xi1>, vector<8x4096xf32>
    %jit3A_70 = arith.constant 10 : i32
    %broadcast_in_dim3A_71 = vector.broadcast %jit3A_70 : i32 to vector<8x4096xi32>
    %select_n3A_72 = arith.select %gt3A_68, %broadcast_in_dim3A_71, %select_n3A_66 : vector<8x4096xi1>, vector<8x4096xi32>
    %slice3A_73 = vector.extract_strided_slice %dot_general3A_7 {offsets = [88, 0], sizes = [8, 4096], strides = [1, 1]} : vector<1024x4096xf32> to vector<8x4096xf32>
    %gt3A_74 = arith.cmpf ogt, %slice3A_73, %select_n3A_69 : vector<8x4096xf32>
    %select_n3A_75 = arith.select %gt3A_74, %slice3A_73, %select_n3A_69 : vector<8x4096xi1>, vector<8x4096xf32>
    %jit3A_76 = arith.constant 11 : i32
    %broadcast_in_dim3A_77 = vector.broadcast %jit3A_76 : i32 to vector<8x4096xi32>
    %select_n3A_78 = arith.select %gt3A_74, %broadcast_in_dim3A_77, %select_n3A_72 : vector<8x4096xi1>, vector<8x4096xi32>
    %slice3A_79 = vector.extract_strided_slice %dot_general3A_7 {offsets = [96, 0], sizes = [8, 4096], strides = [1, 1]} : vector<1024x4096xf32> to vector<8x4096xf32>
    %gt3A_80 = arith.cmpf ogt, %slice3A_79, %select_n3A_75 : vector<8x4096xf32>
    %select_n3A_81 = arith.select %gt3A_80, %slice3A_79, %select_n3A_75 : vector<8x4096xi1>, vector<8x4096xf32>
    %jit3A_82 = arith.constant 12 : i32
    %broadcast_in_dim3A_83 = vector.broadcast %jit3A_82 : i32 to vector<8x4096xi32>
    %select_n3A_84 = arith.select %gt3A_80, %broadcast_in_dim3A_83, %select_n3A_78 : vector<8x4096xi1>, vector<8x4096xi32>
    %slice3A_85 = vector.extract_strided_slice %dot_general3A_7 {offsets = [104, 0], sizes = [8, 4096], strides = [1, 1]} : vector<1024x4096xf32> to vector<8x4096xf32>
    %gt3A_86 = arith.cmpf ogt, %slice3A_85, %select_n3A_81 : vector<8x4096xf32>
    %select_n3A_87 = arith.select %gt3A_86, %slice3A_85, %select_n3A_81 : vector<8x4096xi1>, vector<8x4096xf32>
    %jit3A_88 = arith.constant 13 : i32
    %broadcast_in_dim3A_89 = vector.broadcast %jit3A_88 : i32 to vector<8x4096xi32>
    %select_n3A_90 = arith.select %gt3A_86, %broadcast_in_dim3A_89, %select_n3A_84 : vector<8x4096xi1>, vector<8x4096xi32>
    %slice3A_91 = vector.extract_strided_slice %dot_general3A_7 {offsets = [112, 0], sizes = [8, 4096], strides = [1, 1]} : vector<1024x4096xf32> to vector<8x4096xf32>
    %gt3A_92 = arith.cmpf ogt, %slice3A_91, %select_n3A_87 : vector<8x4096xf32>
    %select_n3A_93 = arith.select %gt3A_92, %slice3A_91, %select_n3A_87 : vector<8x4096xi1>, vector<8x4096xf32>
    %jit3A_94 = arith.constant 14 : i32
    %broadcast_in_dim3A_95 = vector.broadcast %jit3A_94 : i32 to vector<8x4096xi32>
    %select_n3A_96 = arith.select %gt3A_92, %broadcast_in_dim3A_95, %select_n3A_90 : vector<8x4096xi1>, vector<8x4096xi32>
    %slice3A_97 = vector.extract_strided_slice %dot_general3A_7 {offsets = [120, 0], sizes = [8, 4096], strides = [1, 1]} : vector<1024x4096xf32> to vector<8x4096xf32>
    %gt3A_98 = arith.cmpf ogt, %slice3A_97, %select_n3A_93 : vector<8x4096xf32>
    %select_n3A_99 = arith.select %gt3A_98, %slice3A_97, %select_n3A_93 : vector<8x4096xi1>, vector<8x4096xf32>
    %jit3A_100 = arith.constant 15 : i32
    %broadcast_in_dim3A_101 = vector.broadcast %jit3A_100 : i32 to vector<8x4096xi32>
    %select_n3A_102 = arith.select %gt3A_98, %broadcast_in_dim3A_101, %select_n3A_96 : vector<8x4096xi1>, vector<8x4096xi32>
    %slice3A_103 = vector.extract_strided_slice %dot_general3A_7 {offsets = [128, 0], sizes = [8, 4096], strides = [1, 1]} : vector<1024x4096xf32> to vector<8x4096xf32>
    %gt3A_104 = arith.cmpf ogt, %slice3A_103, %select_n3A_99 : vector<8x4096xf32>
    %select_n3A_105 = arith.select %gt3A_104, %slice3A_103, %select_n3A_99 : vector<8x4096xi1>, vector<8x4096xf32>
    %jit3A_106 = arith.constant 16 : i32
    %broadcast_in_dim3A_107 = vector.broadcast %jit3A_106 : i32 to vector<8x4096xi32>
    %select_n3A_108 = arith.select %gt3A_104, %broadcast_in_dim3A_107, %select_n3A_102 : vector<8x4096xi1>, vector<8x4096xi32>
    %slice3A_109 = vector.extract_strided_slice %dot_general3A_7 {offsets = [136, 0], sizes = [8, 4096], strides = [1, 1]} : vector<1024x4096xf32> to vector<8x4096xf32>
    %gt3A_110 = arith.cmpf ogt, %slice3A_109, %select_n3A_105 : vector<8x4096xf32>
    %select_n3A_111 = arith.select %gt3A_110, %slice3A_109, %select_n3A_105 : vector<8x4096xi1>, vector<8x4096xf32>
    %jit3A_112 = arith.constant 17 : i32
    %broadcast_in_dim3A_113 = vector.broadcast %jit3A_112 : i32 to vector<8x4096xi32>
    %select_n3A_114 = arith.select %gt3A_110, %broadcast_in_dim3A_113, %select_n3A_108 : vector<8x4096xi1>, vector<8x4096xi32>
    %slice3A_115 = vector.extract_strided_slice %dot_general3A_7 {offsets = [144, 0], sizes = [8, 4096], strides = [1, 1]} : vector<1024x4096xf32> to vector<8x4096xf32>
    %gt3A_116 = arith.cmpf ogt, %slice3A_115, %select_n3A_111 : vector<8x4096xf32>
    %select_n3A_117 = arith.select %gt3A_116, %slice3A_115, %select_n3A_111 : vector<8x4096xi1>, vector<8x4096xf32>
    %jit3A_118 = arith.constant 18 : i32
    %broadcast_in_dim3A_119 = vector.broadcast %jit3A_118 : i32 to vector<8x4096xi32>
    %select_n3A_120 = arith.select %gt3A_116, %broadcast_in_dim3A_119, %select_n3A_114 : vector<8x4096xi1>, vector<8x4096xi32>
    %slice3A_121 = vector.extract_strided_slice %dot_general3A_7 {offsets = [152, 0], sizes = [8, 4096], strides = [1, 1]} : vector<1024x4096xf32> to vector<8x4096xf32>
    %gt3A_122 = arith.cmpf ogt, %slice3A_121, %select_n3A_117 : vector<8x4096xf32>
    %select_n3A_123 = arith.select %gt3A_122, %slice3A_121, %select_n3A_117 : vector<8x4096xi1>, vector<8x4096xf32>
    %jit3A_124 = arith.constant 19 : i32
    %broadcast_in_dim3A_125 = vector.broadcast %jit3A_124 : i32 to vector<8x4096xi32>
    %select_n3A_126 = arith.select %gt3A_122, %broadcast_in_dim3A_125, %select_n3A_120 : vector<8x4096xi1>, vector<8x4096xi32>
    %slice3A_127 = vector.extract_strided_slice %dot_general3A_7 {offsets = [160, 0], sizes = [8, 4096], strides = [1, 1]} : vector<1024x4096xf32> to vector<8x4096xf32>
    %gt3A_128 = arith.cmpf ogt, %slice3A_127, %select_n3A_123 : vector<8x4096xf32>
    %select_n3A_129 = arith.select %gt3A_128, %slice3A_127, %select_n3A_123 : vector<8x4096xi1>, vector<8x4096xf32>
    %jit3A_130 = arith.constant 20 : i32
    %broadcast_in_dim3A_131 = vector.broadcast %jit3A_130 : i32 to vector<8x4096xi32>
    %select_n3A_132 = arith.select %gt3A_128, %broadcast_in_dim3A_131, %select_n3A_126 : vector<8x4096xi1>, vector<8x4096xi32>
    %slice3A_133 = vector.extract_strided_slice %dot_general3A_7 {offsets = [168, 0], sizes = [8, 4096], strides = [1, 1]} : vector<1024x4096xf32> to vector<8x4096xf32>
    %gt3A_134 = arith.cmpf ogt, %slice3A_133, %select_n3A_129 : vector<8x4096xf32>
    %select_n3A_135 = arith.select %gt3A_134, %slice3A_133, %select_n3A_129 : vector<8x4096xi1>, vector<8x4096xf32>
    %jit3A_136 = arith.constant 21 : i32
    %broadcast_in_dim3A_137 = vector.broadcast %jit3A_136 : i32 to vector<8x4096xi32>
    %select_n3A_138 = arith.select %gt3A_134, %broadcast_in_dim3A_137, %select_n3A_132 : vector<8x4096xi1>, vector<8x4096xi32>
    %slice3A_139 = vector.extract_strided_slice %dot_general3A_7 {offsets = [176, 0], sizes = [8, 4096], strides = [1, 1]} : vector<1024x4096xf32> to vector<8x4096xf32>
    %gt3A_140 = arith.cmpf ogt, %slice3A_139, %select_n3A_135 : vector<8x4096xf32>
    %select_n3A_141 = arith.select %gt3A_140, %slice3A_139, %select_n3A_135 : vector<8x4096xi1>, vector<8x4096xf32>
    %jit3A_142 = arith.constant 22 : i32
    %broadcast_in_dim3A_143 = vector.broadcast %jit3A_142 : i32 to vector<8x4096xi32>
    %select_n3A_144 = arith.select %gt3A_140, %broadcast_in_dim3A_143, %select_n3A_138 : vector<8x4096xi1>, vector<8x4096xi32>
    %slice3A_145 = vector.extract_strided_slice %dot_general3A_7 {offsets = [184, 0], sizes = [8, 4096], strides = [1, 1]} : vector<1024x4096xf32> to vector<8x4096xf32>
    %gt3A_146 = arith.cmpf ogt, %slice3A_145, %select_n3A_141 : vector<8x4096xf32>
    %select_n3A_147 = arith.select %gt3A_146, %slice3A_145, %select_n3A_141 : vector<8x4096xi1>, vector<8x4096xf32>
    %jit3A_148 = arith.constant 23 : i32
    %broadcast_in_dim3A_149 = vector.broadcast %jit3A_148 : i32 to vector<8x4096xi32>
    %select_n3A_150 = arith.select %gt3A_146, %broadcast_in_dim3A_149, %select_n3A_144 : vector<8x4096xi1>, vector<8x4096xi32>
    %slice3A_151 = vector.extract_strided_slice %dot_general3A_7 {offsets = [192, 0], sizes = [8, 4096], strides = [1, 1]} : vector<1024x4096xf32> to vector<8x4096xf32>
    %gt3A_152 = arith.cmpf ogt, %slice3A_151, %select_n3A_147 : vector<8x4096xf32>
    %select_n3A_153 = arith.select %gt3A_152, %slice3A_151, %select_n3A_147 : vector<8x4096xi1>, vector<8x4096xf32>
    %jit3A_154 = arith.constant 24 : i32
    %broadcast_in_dim3A_155 = vector.broadcast %jit3A_154 : i32 to vector<8x4096xi32>
    %select_n3A_156 = arith.select %gt3A_152, %broadcast_in_dim3A_155, %select_n3A_150 : vector<8x4096xi1>, vector<8x4096xi32>
    %slice3A_157 = vector.extract_strided_slice %dot_general3A_7 {offsets = [200, 0], sizes = [8, 4096], strides = [1, 1]} : vector<1024x4096xf32> to vector<8x4096xf32>
    %gt3A_158 = arith.cmpf ogt, %slice3A_157, %select_n3A_153 : vector<8x4096xf32>
    %select_n3A_159 = arith.select %gt3A_158, %slice3A_157, %select_n3A_153 : vector<8x4096xi1>, vector<8x4096xf32>
    %jit3A_160 = arith.constant 25 : i32
    %broadcast_in_dim3A_161 = vector.broadcast %jit3A_160 : i32 to vector<8x4096xi32>
    %select_n3A_162 = arith.select %gt3A_158, %broadcast_in_dim3A_161, %select_n3A_156 : vector<8x4096xi1>, vector<8x4096xi32>
    %slice3A_163 = vector.extract_strided_slice %dot_general3A_7 {offsets = [208, 0], sizes = [8, 4096], strides = [1, 1]} : vector<1024x4096xf32> to vector<8x4096xf32>
    %gt3A_164 = arith.cmpf ogt, %slice3A_163, %select_n3A_159 : vector<8x4096xf32>
    %select_n3A_165 = arith.select %gt3A_164, %slice3A_163, %select_n3A_159 : vector<8x4096xi1>, vector<8x4096xf32>
    %jit3A_166 = arith.constant 26 : i32
    %broadcast_in_dim3A_167 = vector.broadcast %jit3A_166 : i32 to vector<8x4096xi32>
    %select_n3A_168 = arith.select %gt3A_164, %broadcast_in_dim3A_167, %select_n3A_162 : vector<8x4096xi1>, vector<8x4096xi32>
    %slice3A_169 = vector.extract_strided_slice %dot_general3A_7 {offsets = [216, 0], sizes = [8, 4096], strides = [1, 1]} : vector<1024x4096xf32> to vector<8x4096xf32>
    %gt3A_170 = arith.cmpf ogt, %slice3A_169, %select_n3A_165 : vector<8x4096xf32>
    %select_n3A_171 = arith.select %gt3A_170, %slice3A_169, %select_n3A_165 : vector<8x4096xi1>, vector<8x4096xf32>
    %jit3A_172 = arith.constant 27 : i32
    %broadcast_in_dim3A_173 = vector.broadcast %jit3A_172 : i32 to vector<8x4096xi32>
    %select_n3A_174 = arith.select %gt3A_170, %broadcast_in_dim3A_173, %select_n3A_168 : vector<8x4096xi1>, vector<8x4096xi32>
    %slice3A_175 = vector.extract_strided_slice %dot_general3A_7 {offsets = [224, 0], sizes = [8, 4096], strides = [1, 1]} : vector<1024x4096xf32> to vector<8x4096xf32>
    %gt3A_176 = arith.cmpf ogt, %slice3A_175, %select_n3A_171 : vector<8x4096xf32>
    %select_n3A_177 = arith.select %gt3A_176, %slice3A_175, %select_n3A_171 : vector<8x4096xi1>, vector<8x4096xf32>
    %jit3A_178 = arith.constant 28 : i32
    %broadcast_in_dim3A_179 = vector.broadcast %jit3A_178 : i32 to vector<8x4096xi32>
    %select_n3A_180 = arith.select %gt3A_176, %broadcast_in_dim3A_179, %select_n3A_174 : vector<8x4096xi1>, vector<8x4096xi32>
    %slice3A_181 = vector.extract_strided_slice %dot_general3A_7 {offsets = [232, 0], sizes = [8, 4096], strides = [1, 1]} : vector<1024x4096xf32> to vector<8x4096xf32>
    %gt3A_182 = arith.cmpf ogt, %slice3A_181, %select_n3A_177 : vector<8x4096xf32>
    %select_n3A_183 = arith.select %gt3A_182, %slice3A_181, %select_n3A_177 : vector<8x4096xi1>, vector<8x4096xf32>
    %jit3A_184 = arith.constant 29 : i32
    %broadcast_in_dim3A_185 = vector.broadcast %jit3A_184 : i32 to vector<8x4096xi32>
    %select_n3A_186 = arith.select %gt3A_182, %broadcast_in_dim3A_185, %select_n3A_180 : vector<8x4096xi1>, vector<8x4096xi32>
    %slice3A_187 = vector.extract_strided_slice %dot_general3A_7 {offsets = [240, 0], sizes = [8, 4096], strides = [1, 1]} : vector<1024x4096xf32> to vector<8x4096xf32>
    %gt3A_188 = arith.cmpf ogt, %slice3A_187, %select_n3A_183 : vector<8x4096xf32>
    %select_n3A_189 = arith.select %gt3A_188, %slice3A_187, %select_n3A_183 : vector<8x4096xi1>, vector<8x4096xf32>
    %jit3A_190 = arith.constant 30 : i32
    %broadcast_in_dim3A_191 = vector.broadcast %jit3A_190 : i32 to vector<8x4096xi32>
    %select_n3A_192 = arith.select %gt3A_188, %broadcast_in_dim3A_191, %select_n3A_186 : vector<8x4096xi1>, vector<8x4096xi32>
    %slice3A_193 = vector.extract_strided_slice %dot_general3A_7 {offsets = [248, 0], sizes = [8, 4096], strides = [1, 1]} : vector<1024x4096xf32> to vector<8x4096xf32>
    %gt3A_194 = arith.cmpf ogt, %slice3A_193, %select_n3A_189 : vector<8x4096xf32>
    %select_n3A_195 = arith.select %gt3A_194, %slice3A_193, %select_n3A_189 : vector<8x4096xi1>, vector<8x4096xf32>
    %jit3A_196 = arith.constant 31 : i32
    %broadcast_in_dim3A_197 = vector.broadcast %jit3A_196 : i32 to vector<8x4096xi32>
    %select_n3A_198 = arith.select %gt3A_194, %broadcast_in_dim3A_197, %select_n3A_192 : vector<8x4096xi1>, vector<8x4096xi32>
    %slice3A_199 = vector.extract_strided_slice %dot_general3A_7 {offsets = [256, 0], sizes = [8, 4096], strides = [1, 1]} : vector<1024x4096xf32> to vector<8x4096xf32>
    %gt3A_200 = arith.cmpf ogt, %slice3A_199, %select_n3A_195 : vector<8x4096xf32>
    %select_n3A_201 = arith.select %gt3A_200, %slice3A_199, %select_n3A_195 : vector<8x4096xi1>, vector<8x4096xf32>
    %jit3A_202 = arith.constant 32 : i32
    %broadcast_in_dim3A_203 = vector.broadcast %jit3A_202 : i32 to vector<8x4096xi32>
    %select_n3A_204 = arith.select %gt3A_200, %broadcast_in_dim3A_203, %select_n3A_198 : vector<8x4096xi1>, vector<8x4096xi32>
    %slice3A_205 = vector.extract_strided_slice %dot_general3A_7 {offsets = [264, 0], sizes = [8, 4096], strides = [1, 1]} : vector<1024x4096xf32> to vector<8x4096xf32>
    %gt3A_206 = arith.cmpf ogt, %slice3A_205, %select_n3A_201 : vector<8x4096xf32>
    %select_n3A_207 = arith.select %gt3A_206, %slice3A_205, %select_n3A_201 : vector<8x4096xi1>, vector<8x4096xf32>
    %jit3A_208 = arith.constant 33 : i32
    %broadcast_in_dim3A_209 = vector.broadcast %jit3A_208 : i32 to vector<8x4096xi32>
    %select_n3A_210 = arith.select %gt3A_206, %broadcast_in_dim3A_209, %select_n3A_204 : vector<8x4096xi1>, vector<8x4096xi32>
    %slice3A_211 = vector.extract_strided_slice %dot_general3A_7 {offsets = [272, 0], sizes = [8, 4096], strides = [1, 1]} : vector<1024x4096xf32> to vector<8x4096xf32>
    %gt3A_212 = arith.cmpf ogt, %slice3A_211, %select_n3A_207 : vector<8x4096xf32>
    %select_n3A_213 = arith.select %gt3A_212, %slice3A_211, %select_n3A_207 : vector<8x4096xi1>, vector<8x4096xf32>
    %jit3A_214 = arith.constant 34 : i32
    %broadcast_in_dim3A_215 = vector.broadcast %jit3A_214 : i32 to vector<8x4096xi32>
    %select_n3A_216 = arith.select %gt3A_212, %broadcast_in_dim3A_215, %select_n3A_210 : vector<8x4096xi1>, vector<8x4096xi32>
    %slice3A_217 = vector.extract_strided_slice %dot_general3A_7 {offsets = [280, 0], sizes = [8, 4096], strides = [1, 1]} : vector<1024x4096xf32> to vector<8x4096xf32>
    %gt3A_218 = arith.cmpf ogt, %slice3A_217, %select_n3A_213 : vector<8x4096xf32>
    %select_n3A_219 = arith.select %gt3A_218, %slice3A_217, %select_n3A_213 : vector<8x4096xi1>, vector<8x4096xf32>
    %jit3A_220 = arith.constant 35 : i32
    %broadcast_in_dim3A_221 = vector.broadcast %jit3A_220 : i32 to vector<8x4096xi32>
    %select_n3A_222 = arith.select %gt3A_218, %broadcast_in_dim3A_221, %select_n3A_216 : vector<8x4096xi1>, vector<8x4096xi32>
    %slice3A_223 = vector.extract_strided_slice %dot_general3A_7 {offsets = [288, 0], sizes = [8, 4096], strides = [1, 1]} : vector<1024x4096xf32> to vector<8x4096xf32>
    %gt3A_224 = arith.cmpf ogt, %slice3A_223, %select_n3A_219 : vector<8x4096xf32>
    %select_n3A_225 = arith.select %gt3A_224, %slice3A_223, %select_n3A_219 : vector<8x4096xi1>, vector<8x4096xf32>
    %jit3A_226 = arith.constant 36 : i32
    %broadcast_in_dim3A_227 = vector.broadcast %jit3A_226 : i32 to vector<8x4096xi32>
    %select_n3A_228 = arith.select %gt3A_224, %broadcast_in_dim3A_227, %select_n3A_222 : vector<8x4096xi1>, vector<8x4096xi32>
    %slice3A_229 = vector.extract_strided_slice %dot_general3A_7 {offsets = [296, 0], sizes = [8, 4096], strides = [1, 1]} : vector<1024x4096xf32> to vector<8x4096xf32>
    %gt3A_230 = arith.cmpf ogt, %slice3A_229, %select_n3A_225 : vector<8x4096xf32>
    %select_n3A_231 = arith.select %gt3A_230, %slice3A_229, %select_n3A_225 : vector<8x4096xi1>, vector<8x4096xf32>
    %jit3A_232 = arith.constant 37 : i32
    %broadcast_in_dim3A_233 = vector.broadcast %jit3A_232 : i32 to vector<8x4096xi32>
    %select_n3A_234 = arith.select %gt3A_230, %broadcast_in_dim3A_233, %select_n3A_228 : vector<8x4096xi1>, vector<8x4096xi32>
    %slice3A_235 = vector.extract_strided_slice %dot_general3A_7 {offsets = [304, 0], sizes = [8, 4096], strides = [1, 1]} : vector<1024x4096xf32> to vector<8x4096xf32>
    %gt3A_236 = arith.cmpf ogt, %slice3A_235, %select_n3A_231 : vector<8x4096xf32>
    %select_n3A_237 = arith.select %gt3A_236, %slice3A_235, %select_n3A_231 : vector<8x4096xi1>, vector<8x4096xf32>
    %jit3A_238 = arith.constant 38 : i32
    %broadcast_in_dim3A_239 = vector.broadcast %jit3A_238 : i32 to vector<8x4096xi32>
    %select_n3A_240 = arith.select %gt3A_236, %broadcast_in_dim3A_239, %select_n3A_234 : vector<8x4096xi1>, vector<8x4096xi32>
    %slice3A_241 = vector.extract_strided_slice %dot_general3A_7 {offsets = [312, 0], sizes = [8, 4096], strides = [1, 1]} : vector<1024x4096xf32> to vector<8x4096xf32>
    %gt3A_242 = arith.cmpf ogt, %slice3A_241, %select_n3A_237 : vector<8x4096xf32>
    %select_n3A_243 = arith.select %gt3A_242, %slice3A_241, %select_n3A_237 : vector<8x4096xi1>, vector<8x4096xf32>
    %jit3A_244 = arith.constant 39 : i32
    %broadcast_in_dim3A_245 = vector.broadcast %jit3A_244 : i32 to vector<8x4096xi32>
    %select_n3A_246 = arith.select %gt3A_242, %broadcast_in_dim3A_245, %select_n3A_240 : vector<8x4096xi1>, vector<8x4096xi32>
    %slice3A_247 = vector.extract_strided_slice %dot_general3A_7 {offsets = [320, 0], sizes = [8, 4096], strides = [1, 1]} : vector<1024x4096xf32> to vector<8x4096xf32>
    %gt3A_248 = arith.cmpf ogt, %slice3A_247, %select_n3A_243 : vector<8x4096xf32>
    %select_n3A_249 = arith.select %gt3A_248, %slice3A_247, %select_n3A_243 : vector<8x4096xi1>, vector<8x4096xf32>
    %jit3A_250 = arith.constant 40 : i32
    %broadcast_in_dim3A_251 = vector.broadcast %jit3A_250 : i32 to vector<8x4096xi32>
    %select_n3A_252 = arith.select %gt3A_248, %broadcast_in_dim3A_251, %select_n3A_246 : vector<8x4096xi1>, vector<8x4096xi32>
    %slice3A_253 = vector.extract_strided_slice %dot_general3A_7 {offsets = [328, 0], sizes = [8, 4096], strides = [1, 1]} : vector<1024x4096xf32> to vector<8x4096xf32>
    %gt3A_254 = arith.cmpf ogt, %slice3A_253, %select_n3A_249 : vector<8x4096xf32>
    %select_n3A_255 = arith.select %gt3A_254, %slice3A_253, %select_n3A_249 : vector<8x4096xi1>, vector<8x4096xf32>
    %jit3A_256 = arith.constant 41 : i32
    %broadcast_in_dim3A_257 = vector.broadcast %jit3A_256 : i32 to vector<8x4096xi32>
    %select_n3A_258 = arith.select %gt3A_254, %broadcast_in_dim3A_257, %select_n3A_252 : vector<8x4096xi1>, vector<8x4096xi32>
    %slice3A_259 = vector.extract_strided_slice %dot_general3A_7 {offsets = [336, 0], sizes = [8, 4096], strides = [1, 1]} : vector<1024x4096xf32> to vector<8x4096xf32>
    %gt3A_260 = arith.cmpf ogt, %slice3A_259, %select_n3A_255 : vector<8x4096xf32>
    %select_n3A_261 = arith.select %gt3A_260, %slice3A_259, %select_n3A_255 : vector<8x4096xi1>, vector<8x4096xf32>
    %jit3A_262 = arith.constant 42 : i32
    %broadcast_in_dim3A_263 = vector.broadcast %jit3A_262 : i32 to vector<8x4096xi32>
    %select_n3A_264 = arith.select %gt3A_260, %broadcast_in_dim3A_263, %select_n3A_258 : vector<8x4096xi1>, vector<8x4096xi32>
    %slice3A_265 = vector.extract_strided_slice %dot_general3A_7 {offsets = [344, 0], sizes = [8, 4096], strides = [1, 1]} : vector<1024x4096xf32> to vector<8x4096xf32>
    %gt3A_266 = arith.cmpf ogt, %slice3A_265, %select_n3A_261 : vector<8x4096xf32>
    %select_n3A_267 = arith.select %gt3A_266, %slice3A_265, %select_n3A_261 : vector<8x4096xi1>, vector<8x4096xf32>
    %jit3A_268 = arith.constant 43 : i32
    %broadcast_in_dim3A_269 = vector.broadcast %jit3A_268 : i32 to vector<8x4096xi32>
    %select_n3A_270 = arith.select %gt3A_266, %broadcast_in_dim3A_269, %select_n3A_264 : vector<8x4096xi1>, vector<8x4096xi32>
    %slice3A_271 = vector.extract_strided_slice %dot_general3A_7 {offsets = [352, 0], sizes = [8, 4096], strides = [1, 1]} : vector<1024x4096xf32> to vector<8x4096xf32>
    %gt3A_272 = arith.cmpf ogt, %slice3A_271, %select_n3A_267 : vector<8x4096xf32>
    %select_n3A_273 = arith.select %gt3A_272, %slice3A_271, %select_n3A_267 : vector<8x4096xi1>, vector<8x4096xf32>
    %jit3A_274 = arith.constant 44 : i32
    %broadcast_in_dim3A_275 = vector.broadcast %jit3A_274 : i32 to vector<8x4096xi32>
    %select_n3A_276 = arith.select %gt3A_272, %broadcast_in_dim3A_275, %select_n3A_270 : vector<8x4096xi1>, vector<8x4096xi32>
    %slice3A_277 = vector.extract_strided_slice %dot_general3A_7 {offsets = [360, 0], sizes = [8, 4096], strides = [1, 1]} : vector<1024x4096xf32> to vector<8x4096xf32>
    %gt3A_278 = arith.cmpf ogt, %slice3A_277, %select_n3A_273 : vector<8x4096xf32>
    %select_n3A_279 = arith.select %gt3A_278, %slice3A_277, %select_n3A_273 : vector<8x4096xi1>, vector<8x4096xf32>
    %jit3A_280 = arith.constant 45 : i32
    %broadcast_in_dim3A_281 = vector.broadcast %jit3A_280 : i32 to vector<8x4096xi32>
    %select_n3A_282 = arith.select %gt3A_278, %broadcast_in_dim3A_281, %select_n3A_276 : vector<8x4096xi1>, vector<8x4096xi32>
    %slice3A_283 = vector.extract_strided_slice %dot_general3A_7 {offsets = [368, 0], sizes = [8, 4096], strides = [1, 1]} : vector<1024x4096xf32> to vector<8x4096xf32>
    %gt3A_284 = arith.cmpf ogt, %slice3A_283, %select_n3A_279 : vector<8x4096xf32>
    %select_n3A_285 = arith.select %gt3A_284, %slice3A_283, %select_n3A_279 : vector<8x4096xi1>, vector<8x4096xf32>
    %jit3A_286 = arith.constant 46 : i32
    %broadcast_in_dim3A_287 = vector.broadcast %jit3A_286 : i32 to vector<8x4096xi32>
    %select_n3A_288 = arith.select %gt3A_284, %broadcast_in_dim3A_287, %select_n3A_282 : vector<8x4096xi1>, vector<8x4096xi32>
    %slice3A_289 = vector.extract_strided_slice %dot_general3A_7 {offsets = [376, 0], sizes = [8, 4096], strides = [1, 1]} : vector<1024x4096xf32> to vector<8x4096xf32>
    %gt3A_290 = arith.cmpf ogt, %slice3A_289, %select_n3A_285 : vector<8x4096xf32>
    %select_n3A_291 = arith.select %gt3A_290, %slice3A_289, %select_n3A_285 : vector<8x4096xi1>, vector<8x4096xf32>
    %jit3A_292 = arith.constant 47 : i32
    %broadcast_in_dim3A_293 = vector.broadcast %jit3A_292 : i32 to vector<8x4096xi32>
    %select_n3A_294 = arith.select %gt3A_290, %broadcast_in_dim3A_293, %select_n3A_288 : vector<8x4096xi1>, vector<8x4096xi32>
    %slice3A_295 = vector.extract_strided_slice %dot_general3A_7 {offsets = [384, 0], sizes = [8, 4096], strides = [1, 1]} : vector<1024x4096xf32> to vector<8x4096xf32>
    %gt3A_296 = arith.cmpf ogt, %slice3A_295, %select_n3A_291 : vector<8x4096xf32>
    %select_n3A_297 = arith.select %gt3A_296, %slice3A_295, %select_n3A_291 : vector<8x4096xi1>, vector<8x4096xf32>
    %jit3A_298 = arith.constant 48 : i32
    %broadcast_in_dim3A_299 = vector.broadcast %jit3A_298 : i32 to vector<8x4096xi32>
    %select_n3A_300 = arith.select %gt3A_296, %broadcast_in_dim3A_299, %select_n3A_294 : vector<8x4096xi1>, vector<8x4096xi32>
    %slice3A_301 = vector.extract_strided_slice %dot_general3A_7 {offsets = [392, 0], sizes = [8, 4096], strides = [1, 1]} : vector<1024x4096xf32> to vector<8x4096xf32>
    %gt3A_302 = arith.cmpf ogt, %slice3A_301, %select_n3A_297 : vector<8x4096xf32>
    %select_n3A_303 = arith.select %gt3A_302, %slice3A_301, %select_n3A_297 : vector<8x4096xi1>, vector<8x4096xf32>
    %jit3A_304 = arith.constant 49 : i32
    %broadcast_in_dim3A_305 = vector.broadcast %jit3A_304 : i32 to vector<8x4096xi32>
    %select_n3A_306 = arith.select %gt3A_302, %broadcast_in_dim3A_305, %select_n3A_300 : vector<8x4096xi1>, vector<8x4096xi32>
    %slice3A_307 = vector.extract_strided_slice %dot_general3A_7 {offsets = [400, 0], sizes = [8, 4096], strides = [1, 1]} : vector<1024x4096xf32> to vector<8x4096xf32>
    %gt3A_308 = arith.cmpf ogt, %slice3A_307, %select_n3A_303 : vector<8x4096xf32>
    %select_n3A_309 = arith.select %gt3A_308, %slice3A_307, %select_n3A_303 : vector<8x4096xi1>, vector<8x4096xf32>
    %jit3A_310 = arith.constant 50 : i32
    %broadcast_in_dim3A_311 = vector.broadcast %jit3A_310 : i32 to vector<8x4096xi32>
    %select_n3A_312 = arith.select %gt3A_308, %broadcast_in_dim3A_311, %select_n3A_306 : vector<8x4096xi1>, vector<8x4096xi32>
    %slice3A_313 = vector.extract_strided_slice %dot_general3A_7 {offsets = [408, 0], sizes = [8, 4096], strides = [1, 1]} : vector<1024x4096xf32> to vector<8x4096xf32>
    %gt3A_314 = arith.cmpf ogt, %slice3A_313, %select_n3A_309 : vector<8x4096xf32>
    %select_n3A_315 = arith.select %gt3A_314, %slice3A_313, %select_n3A_309 : vector<8x4096xi1>, vector<8x4096xf32>
    %jit3A_316 = arith.constant 51 : i32
    %broadcast_in_dim3A_317 = vector.broadcast %jit3A_316 : i32 to vector<8x4096xi32>
    %select_n3A_318 = arith.select %gt3A_314, %broadcast_in_dim3A_317, %select_n3A_312 : vector<8x4096xi1>, vector<8x4096xi32>
    %slice3A_319 = vector.extract_strided_slice %dot_general3A_7 {offsets = [416, 0], sizes = [8, 4096], strides = [1, 1]} : vector<1024x4096xf32> to vector<8x4096xf32>
    %gt3A_320 = arith.cmpf ogt, %slice3A_319, %select_n3A_315 : vector<8x4096xf32>
    %select_n3A_321 = arith.select %gt3A_320, %slice3A_319, %select_n3A_315 : vector<8x4096xi1>, vector<8x4096xf32>
    %jit3A_322 = arith.constant 52 : i32
    %broadcast_in_dim3A_323 = vector.broadcast %jit3A_322 : i32 to vector<8x4096xi32>
    %select_n3A_324 = arith.select %gt3A_320, %broadcast_in_dim3A_323, %select_n3A_318 : vector<8x4096xi1>, vector<8x4096xi32>
    %slice3A_325 = vector.extract_strided_slice %dot_general3A_7 {offsets = [424, 0], sizes = [8, 4096], strides = [1, 1]} : vector<1024x4096xf32> to vector<8x4096xf32>
    %gt3A_326 = arith.cmpf ogt, %slice3A_325, %select_n3A_321 : vector<8x4096xf32>
    %select_n3A_327 = arith.select %gt3A_326, %slice3A_325, %select_n3A_321 : vector<8x4096xi1>, vector<8x4096xf32>
    %jit3A_328 = arith.constant 53 : i32
    %broadcast_in_dim3A_329 = vector.broadcast %jit3A_328 : i32 to vector<8x4096xi32>
    %select_n3A_330 = arith.select %gt3A_326, %broadcast_in_dim3A_329, %select_n3A_324 : vector<8x4096xi1>, vector<8x4096xi32>
    %slice3A_331 = vector.extract_strided_slice %dot_general3A_7 {offsets = [432, 0], sizes = [8, 4096], strides = [1, 1]} : vector<1024x4096xf32> to vector<8x4096xf32>
    %gt3A_332 = arith.cmpf ogt, %slice3A_331, %select_n3A_327 : vector<8x4096xf32>
    %select_n3A_333 = arith.select %gt3A_332, %slice3A_331, %select_n3A_327 : vector<8x4096xi1>, vector<8x4096xf32>
    %jit3A_334 = arith.constant 54 : i32
    %broadcast_in_dim3A_335 = vector.broadcast %jit3A_334 : i32 to vector<8x4096xi32>
    %select_n3A_336 = arith.select %gt3A_332, %broadcast_in_dim3A_335, %select_n3A_330 : vector<8x4096xi1>, vector<8x4096xi32>
    %slice3A_337 = vector.extract_strided_slice %dot_general3A_7 {offsets = [440, 0], sizes = [8, 4096], strides = [1, 1]} : vector<1024x4096xf32> to vector<8x4096xf32>
    %gt3A_338 = arith.cmpf ogt, %slice3A_337, %select_n3A_333 : vector<8x4096xf32>
    %select_n3A_339 = arith.select %gt3A_338, %slice3A_337, %select_n3A_333 : vector<8x4096xi1>, vector<8x4096xf32>
    %jit3A_340 = arith.constant 55 : i32
    %broadcast_in_dim3A_341 = vector.broadcast %jit3A_340 : i32 to vector<8x4096xi32>
    %select_n3A_342 = arith.select %gt3A_338, %broadcast_in_dim3A_341, %select_n3A_336 : vector<8x4096xi1>, vector<8x4096xi32>
    %slice3A_343 = vector.extract_strided_slice %dot_general3A_7 {offsets = [448, 0], sizes = [8, 4096], strides = [1, 1]} : vector<1024x4096xf32> to vector<8x4096xf32>
    %gt3A_344 = arith.cmpf ogt, %slice3A_343, %select_n3A_339 : vector<8x4096xf32>
    %select_n3A_345 = arith.select %gt3A_344, %slice3A_343, %select_n3A_339 : vector<8x4096xi1>, vector<8x4096xf32>
    %jit3A_346 = arith.constant 56 : i32
    %broadcast_in_dim3A_347 = vector.broadcast %jit3A_346 : i32 to vector<8x4096xi32>
    %select_n3A_348 = arith.select %gt3A_344, %broadcast_in_dim3A_347, %select_n3A_342 : vector<8x4096xi1>, vector<8x4096xi32>
    %slice3A_349 = vector.extract_strided_slice %dot_general3A_7 {offsets = [456, 0], sizes = [8, 4096], strides = [1, 1]} : vector<1024x4096xf32> to vector<8x4096xf32>
    %gt3A_350 = arith.cmpf ogt, %slice3A_349, %select_n3A_345 : vector<8x4096xf32>
    %select_n3A_351 = arith.select %gt3A_350, %slice3A_349, %select_n3A_345 : vector<8x4096xi1>, vector<8x4096xf32>
    %jit3A_352 = arith.constant 57 : i32
    %broadcast_in_dim3A_353 = vector.broadcast %jit3A_352 : i32 to vector<8x4096xi32>
    %select_n3A_354 = arith.select %gt3A_350, %broadcast_in_dim3A_353, %select_n3A_348 : vector<8x4096xi1>, vector<8x4096xi32>
    %slice3A_355 = vector.extract_strided_slice %dot_general3A_7 {offsets = [464, 0], sizes = [8, 4096], strides = [1, 1]} : vector<1024x4096xf32> to vector<8x4096xf32>
    %gt3A_356 = arith.cmpf ogt, %slice3A_355, %select_n3A_351 : vector<8x4096xf32>
    %select_n3A_357 = arith.select %gt3A_356, %slice3A_355, %select_n3A_351 : vector<8x4096xi1>, vector<8x4096xf32>
    %jit3A_358 = arith.constant 58 : i32
    %broadcast_in_dim3A_359 = vector.broadcast %jit3A_358 : i32 to vector<8x4096xi32>
    %select_n3A_360 = arith.select %gt3A_356, %broadcast_in_dim3A_359, %select_n3A_354 : vector<8x4096xi1>, vector<8x4096xi32>
    %slice3A_361 = vector.extract_strided_slice %dot_general3A_7 {offsets = [472, 0], sizes = [8, 4096], strides = [1, 1]} : vector<1024x4096xf32> to vector<8x4096xf32>
    %gt3A_362 = arith.cmpf ogt, %slice3A_361, %select_n3A_357 : vector<8x4096xf32>
    %select_n3A_363 = arith.select %gt3A_362, %slice3A_361, %select_n3A_357 : vector<8x4096xi1>, vector<8x4096xf32>
    %jit3A_364 = arith.constant 59 : i32
    %broadcast_in_dim3A_365 = vector.broadcast %jit3A_364 : i32 to vector<8x4096xi32>
    %select_n3A_366 = arith.select %gt3A_362, %broadcast_in_dim3A_365, %select_n3A_360 : vector<8x4096xi1>, vector<8x4096xi32>
    %slice3A_367 = vector.extract_strided_slice %dot_general3A_7 {offsets = [480, 0], sizes = [8, 4096], strides = [1, 1]} : vector<1024x4096xf32> to vector<8x4096xf32>
    %gt3A_368 = arith.cmpf ogt, %slice3A_367, %select_n3A_363 : vector<8x4096xf32>
    %select_n3A_369 = arith.select %gt3A_368, %slice3A_367, %select_n3A_363 : vector<8x4096xi1>, vector<8x4096xf32>
    %jit3A_370 = arith.constant 60 : i32
    %broadcast_in_dim3A_371 = vector.broadcast %jit3A_370 : i32 to vector<8x4096xi32>
    %select_n3A_372 = arith.select %gt3A_368, %broadcast_in_dim3A_371, %select_n3A_366 : vector<8x4096xi1>, vector<8x4096xi32>
    %slice3A_373 = vector.extract_strided_slice %dot_general3A_7 {offsets = [488, 0], sizes = [8, 4096], strides = [1, 1]} : vector<1024x4096xf32> to vector<8x4096xf32>
    %gt3A_374 = arith.cmpf ogt, %slice3A_373, %select_n3A_369 : vector<8x4096xf32>
    %select_n3A_375 = arith.select %gt3A_374, %slice3A_373, %select_n3A_369 : vector<8x4096xi1>, vector<8x4096xf32>
    %jit3A_376 = arith.constant 61 : i32
    %broadcast_in_dim3A_377 = vector.broadcast %jit3A_376 : i32 to vector<8x4096xi32>
    %select_n3A_378 = arith.select %gt3A_374, %broadcast_in_dim3A_377, %select_n3A_372 : vector<8x4096xi1>, vector<8x4096xi32>
    %slice3A_379 = vector.extract_strided_slice %dot_general3A_7 {offsets = [496, 0], sizes = [8, 4096], strides = [1, 1]} : vector<1024x4096xf32> to vector<8x4096xf32>
    %gt3A_380 = arith.cmpf ogt, %slice3A_379, %select_n3A_375 : vector<8x4096xf32>
    %select_n3A_381 = arith.select %gt3A_380, %slice3A_379, %select_n3A_375 : vector<8x4096xi1>, vector<8x4096xf32>
    %jit3A_382 = arith.constant 62 : i32
    %broadcast_in_dim3A_383 = vector.broadcast %jit3A_382 : i32 to vector<8x4096xi32>
    %select_n3A_384 = arith.select %gt3A_380, %broadcast_in_dim3A_383, %select_n3A_378 : vector<8x4096xi1>, vector<8x4096xi32>
    %slice3A_385 = vector.extract_strided_slice %dot_general3A_7 {offsets = [504, 0], sizes = [8, 4096], strides = [1, 1]} : vector<1024x4096xf32> to vector<8x4096xf32>
    %gt3A_386 = arith.cmpf ogt, %slice3A_385, %select_n3A_381 : vector<8x4096xf32>
    %select_n3A_387 = arith.select %gt3A_386, %slice3A_385, %select_n3A_381 : vector<8x4096xi1>, vector<8x4096xf32>
    %jit3A_388 = arith.constant 63 : i32
    %broadcast_in_dim3A_389 = vector.broadcast %jit3A_388 : i32 to vector<8x4096xi32>
    %select_n3A_390 = arith.select %gt3A_386, %broadcast_in_dim3A_389, %select_n3A_384 : vector<8x4096xi1>, vector<8x4096xi32>
    %slice3A_391 = vector.extract_strided_slice %dot_general3A_7 {offsets = [512, 0], sizes = [8, 4096], strides = [1, 1]} : vector<1024x4096xf32> to vector<8x4096xf32>
    %gt3A_392 = arith.cmpf ogt, %slice3A_391, %select_n3A_387 : vector<8x4096xf32>
    %select_n3A_393 = arith.select %gt3A_392, %slice3A_391, %select_n3A_387 : vector<8x4096xi1>, vector<8x4096xf32>
    %jit3A_394 = arith.constant 64 : i32
    %broadcast_in_dim3A_395 = vector.broadcast %jit3A_394 : i32 to vector<8x4096xi32>
    %select_n3A_396 = arith.select %gt3A_392, %broadcast_in_dim3A_395, %select_n3A_390 : vector<8x4096xi1>, vector<8x4096xi32>
    %slice3A_397 = vector.extract_strided_slice %dot_general3A_7 {offsets = [520, 0], sizes = [8, 4096], strides = [1, 1]} : vector<1024x4096xf32> to vector<8x4096xf32>
    %gt3A_398 = arith.cmpf ogt, %slice3A_397, %select_n3A_393 : vector<8x4096xf32>
    %select_n3A_399 = arith.select %gt3A_398, %slice3A_397, %select_n3A_393 : vector<8x4096xi1>, vector<8x4096xf32>
    %jit3A_400 = arith.constant 65 : i32
    %broadcast_in_dim3A_401 = vector.broadcast %jit3A_400 : i32 to vector<8x4096xi32>
    %select_n3A_402 = arith.select %gt3A_398, %broadcast_in_dim3A_401, %select_n3A_396 : vector<8x4096xi1>, vector<8x4096xi32>
    %slice3A_403 = vector.extract_strided_slice %dot_general3A_7 {offsets = [528, 0], sizes = [8, 4096], strides = [1, 1]} : vector<1024x4096xf32> to vector<8x4096xf32>
    %gt3A_404 = arith.cmpf ogt, %slice3A_403, %select_n3A_399 : vector<8x4096xf32>
    %select_n3A_405 = arith.select %gt3A_404, %slice3A_403, %select_n3A_399 : vector<8x4096xi1>, vector<8x4096xf32>
    %jit3A_406 = arith.constant 66 : i32
    %broadcast_in_dim3A_407 = vector.broadcast %jit3A_406 : i32 to vector<8x4096xi32>
    %select_n3A_408 = arith.select %gt3A_404, %broadcast_in_dim3A_407, %select_n3A_402 : vector<8x4096xi1>, vector<8x4096xi32>
    %slice3A_409 = vector.extract_strided_slice %dot_general3A_7 {offsets = [536, 0], sizes = [8, 4096], strides = [1, 1]} : vector<1024x4096xf32> to vector<8x4096xf32>
    %gt3A_410 = arith.cmpf ogt, %slice3A_409, %select_n3A_405 : vector<8x4096xf32>
    %select_n3A_411 = arith.select %gt3A_410, %slice3A_409, %select_n3A_405 : vector<8x4096xi1>, vector<8x4096xf32>
    %jit3A_412 = arith.constant 67 : i32
    %broadcast_in_dim3A_413 = vector.broadcast %jit3A_412 : i32 to vector<8x4096xi32>
    %select_n3A_414 = arith.select %gt3A_410, %broadcast_in_dim3A_413, %select_n3A_408 : vector<8x4096xi1>, vector<8x4096xi32>
    %slice3A_415 = vector.extract_strided_slice %dot_general3A_7 {offsets = [544, 0], sizes = [8, 4096], strides = [1, 1]} : vector<1024x4096xf32> to vector<8x4096xf32>
    %gt3A_416 = arith.cmpf ogt, %slice3A_415, %select_n3A_411 : vector<8x4096xf32>
    %select_n3A_417 = arith.select %gt3A_416, %slice3A_415, %select_n3A_411 : vector<8x4096xi1>, vector<8x4096xf32>
    %jit3A_418 = arith.constant 68 : i32
    %broadcast_in_dim3A_419 = vector.broadcast %jit3A_418 : i32 to vector<8x4096xi32>
    %select_n3A_420 = arith.select %gt3A_416, %broadcast_in_dim3A_419, %select_n3A_414 : vector<8x4096xi1>, vector<8x4096xi32>
    %slice3A_421 = vector.extract_strided_slice %dot_general3A_7 {offsets = [552, 0], sizes = [8, 4096], strides = [1, 1]} : vector<1024x4096xf32> to vector<8x4096xf32>
    %gt3A_422 = arith.cmpf ogt, %slice3A_421, %select_n3A_417 : vector<8x4096xf32>
    %select_n3A_423 = arith.select %gt3A_422, %slice3A_421, %select_n3A_417 : vector<8x4096xi1>, vector<8x4096xf32>
    %jit3A_424 = arith.constant 69 : i32
    %broadcast_in_dim3A_425 = vector.broadcast %jit3A_424 : i32 to vector<8x4096xi32>
    %select_n3A_426 = arith.select %gt3A_422, %broadcast_in_dim3A_425, %select_n3A_420 : vector<8x4096xi1>, vector<8x4096xi32>
    %slice3A_427 = vector.extract_strided_slice %dot_general3A_7 {offsets = [560, 0], sizes = [8, 4096], strides = [1, 1]} : vector<1024x4096xf32> to vector<8x4096xf32>
    %gt3A_428 = arith.cmpf ogt, %slice3A_427, %select_n3A_423 : vector<8x4096xf32>
    %select_n3A_429 = arith.select %gt3A_428, %slice3A_427, %select_n3A_423 : vector<8x4096xi1>, vector<8x4096xf32>
    %jit3A_430 = arith.constant 70 : i32
    %broadcast_in_dim3A_431 = vector.broadcast %jit3A_430 : i32 to vector<8x4096xi32>
    %select_n3A_432 = arith.select %gt3A_428, %broadcast_in_dim3A_431, %select_n3A_426 : vector<8x4096xi1>, vector<8x4096xi32>
    %slice3A_433 = vector.extract_strided_slice %dot_general3A_7 {offsets = [568, 0], sizes = [8, 4096], strides = [1, 1]} : vector<1024x4096xf32> to vector<8x4096xf32>
    %gt3A_434 = arith.cmpf ogt, %slice3A_433, %select_n3A_429 : vector<8x4096xf32>
    %select_n3A_435 = arith.select %gt3A_434, %slice3A_433, %select_n3A_429 : vector<8x4096xi1>, vector<8x4096xf32>
    %jit3A_436 = arith.constant 71 : i32
    %broadcast_in_dim3A_437 = vector.broadcast %jit3A_436 : i32 to vector<8x4096xi32>
    %select_n3A_438 = arith.select %gt3A_434, %broadcast_in_dim3A_437, %select_n3A_432 : vector<8x4096xi1>, vector<8x4096xi32>
    %slice3A_439 = vector.extract_strided_slice %dot_general3A_7 {offsets = [576, 0], sizes = [8, 4096], strides = [1, 1]} : vector<1024x4096xf32> to vector<8x4096xf32>
    %gt3A_440 = arith.cmpf ogt, %slice3A_439, %select_n3A_435 : vector<8x4096xf32>
    %select_n3A_441 = arith.select %gt3A_440, %slice3A_439, %select_n3A_435 : vector<8x4096xi1>, vector<8x4096xf32>
    %jit3A_442 = arith.constant 72 : i32
    %broadcast_in_dim3A_443 = vector.broadcast %jit3A_442 : i32 to vector<8x4096xi32>
    %select_n3A_444 = arith.select %gt3A_440, %broadcast_in_dim3A_443, %select_n3A_438 : vector<8x4096xi1>, vector<8x4096xi32>
    %slice3A_445 = vector.extract_strided_slice %dot_general3A_7 {offsets = [584, 0], sizes = [8, 4096], strides = [1, 1]} : vector<1024x4096xf32> to vector<8x4096xf32>
    %gt3A_446 = arith.cmpf ogt, %slice3A_445, %select_n3A_441 : vector<8x4096xf32>
    %select_n3A_447 = arith.select %gt3A_446, %slice3A_445, %select_n3A_441 : vector<8x4096xi1>, vector<8x4096xf32>
    %jit3A_448 = arith.constant 73 : i32
    %broadcast_in_dim3A_449 = vector.broadcast %jit3A_448 : i32 to vector<8x4096xi32>
    %select_n3A_450 = arith.select %gt3A_446, %broadcast_in_dim3A_449, %select_n3A_444 : vector<8x4096xi1>, vector<8x4096xi32>
    %slice3A_451 = vector.extract_strided_slice %dot_general3A_7 {offsets = [592, 0], sizes = [8, 4096], strides = [1, 1]} : vector<1024x4096xf32> to vector<8x4096xf32>
    %gt3A_452 = arith.cmpf ogt, %slice3A_451, %select_n3A_447 : vector<8x4096xf32>
    %select_n3A_453 = arith.select %gt3A_452, %slice3A_451, %select_n3A_447 : vector<8x4096xi1>, vector<8x4096xf32>
    %jit3A_454 = arith.constant 74 : i32
    %broadcast_in_dim3A_455 = vector.broadcast %jit3A_454 : i32 to vector<8x4096xi32>
    %select_n3A_456 = arith.select %gt3A_452, %broadcast_in_dim3A_455, %select_n3A_450 : vector<8x4096xi1>, vector<8x4096xi32>
    %slice3A_457 = vector.extract_strided_slice %dot_general3A_7 {offsets = [600, 0], sizes = [8, 4096], strides = [1, 1]} : vector<1024x4096xf32> to vector<8x4096xf32>
    %gt3A_458 = arith.cmpf ogt, %slice3A_457, %select_n3A_453 : vector<8x4096xf32>
    %select_n3A_459 = arith.select %gt3A_458, %slice3A_457, %select_n3A_453 : vector<8x4096xi1>, vector<8x4096xf32>
    %jit3A_460 = arith.constant 75 : i32
    %broadcast_in_dim3A_461 = vector.broadcast %jit3A_460 : i32 to vector<8x4096xi32>
    %select_n3A_462 = arith.select %gt3A_458, %broadcast_in_dim3A_461, %select_n3A_456 : vector<8x4096xi1>, vector<8x4096xi32>
    %slice3A_463 = vector.extract_strided_slice %dot_general3A_7 {offsets = [608, 0], sizes = [8, 4096], strides = [1, 1]} : vector<1024x4096xf32> to vector<8x4096xf32>
    %gt3A_464 = arith.cmpf ogt, %slice3A_463, %select_n3A_459 : vector<8x4096xf32>
    %select_n3A_465 = arith.select %gt3A_464, %slice3A_463, %select_n3A_459 : vector<8x4096xi1>, vector<8x4096xf32>
    %jit3A_466 = arith.constant 76 : i32
    %broadcast_in_dim3A_467 = vector.broadcast %jit3A_466 : i32 to vector<8x4096xi32>
    %select_n3A_468 = arith.select %gt3A_464, %broadcast_in_dim3A_467, %select_n3A_462 : vector<8x4096xi1>, vector<8x4096xi32>
    %slice3A_469 = vector.extract_strided_slice %dot_general3A_7 {offsets = [616, 0], sizes = [8, 4096], strides = [1, 1]} : vector<1024x4096xf32> to vector<8x4096xf32>
    %gt3A_470 = arith.cmpf ogt, %slice3A_469, %select_n3A_465 : vector<8x4096xf32>
    %select_n3A_471 = arith.select %gt3A_470, %slice3A_469, %select_n3A_465 : vector<8x4096xi1>, vector<8x4096xf32>
    %jit3A_472 = arith.constant 77 : i32
    %broadcast_in_dim3A_473 = vector.broadcast %jit3A_472 : i32 to vector<8x4096xi32>
    %select_n3A_474 = arith.select %gt3A_470, %broadcast_in_dim3A_473, %select_n3A_468 : vector<8x4096xi1>, vector<8x4096xi32>
    %slice3A_475 = vector.extract_strided_slice %dot_general3A_7 {offsets = [624, 0], sizes = [8, 4096], strides = [1, 1]} : vector<1024x4096xf32> to vector<8x4096xf32>
    %gt3A_476 = arith.cmpf ogt, %slice3A_475, %select_n3A_471 : vector<8x4096xf32>
    %select_n3A_477 = arith.select %gt3A_476, %slice3A_475, %select_n3A_471 : vector<8x4096xi1>, vector<8x4096xf32>
    %jit3A_478 = arith.constant 78 : i32
    %broadcast_in_dim3A_479 = vector.broadcast %jit3A_478 : i32 to vector<8x4096xi32>
    %select_n3A_480 = arith.select %gt3A_476, %broadcast_in_dim3A_479, %select_n3A_474 : vector<8x4096xi1>, vector<8x4096xi32>
    %slice3A_481 = vector.extract_strided_slice %dot_general3A_7 {offsets = [632, 0], sizes = [8, 4096], strides = [1, 1]} : vector<1024x4096xf32> to vector<8x4096xf32>
    %gt3A_482 = arith.cmpf ogt, %slice3A_481, %select_n3A_477 : vector<8x4096xf32>
    %select_n3A_483 = arith.select %gt3A_482, %slice3A_481, %select_n3A_477 : vector<8x4096xi1>, vector<8x4096xf32>
    %jit3A_484 = arith.constant 79 : i32
    %broadcast_in_dim3A_485 = vector.broadcast %jit3A_484 : i32 to vector<8x4096xi32>
    %select_n3A_486 = arith.select %gt3A_482, %broadcast_in_dim3A_485, %select_n3A_480 : vector<8x4096xi1>, vector<8x4096xi32>
    %slice3A_487 = vector.extract_strided_slice %dot_general3A_7 {offsets = [640, 0], sizes = [8, 4096], strides = [1, 1]} : vector<1024x4096xf32> to vector<8x4096xf32>
    %gt3A_488 = arith.cmpf ogt, %slice3A_487, %select_n3A_483 : vector<8x4096xf32>
    %select_n3A_489 = arith.select %gt3A_488, %slice3A_487, %select_n3A_483 : vector<8x4096xi1>, vector<8x4096xf32>
    %jit3A_490 = arith.constant 80 : i32
    %broadcast_in_dim3A_491 = vector.broadcast %jit3A_490 : i32 to vector<8x4096xi32>
    %select_n3A_492 = arith.select %gt3A_488, %broadcast_in_dim3A_491, %select_n3A_486 : vector<8x4096xi1>, vector<8x4096xi32>
    %slice3A_493 = vector.extract_strided_slice %dot_general3A_7 {offsets = [648, 0], sizes = [8, 4096], strides = [1, 1]} : vector<1024x4096xf32> to vector<8x4096xf32>
    %gt3A_494 = arith.cmpf ogt, %slice3A_493, %select_n3A_489 : vector<8x4096xf32>
    %select_n3A_495 = arith.select %gt3A_494, %slice3A_493, %select_n3A_489 : vector<8x4096xi1>, vector<8x4096xf32>
    %jit3A_496 = arith.constant 81 : i32
    %broadcast_in_dim3A_497 = vector.broadcast %jit3A_496 : i32 to vector<8x4096xi32>
    %select_n3A_498 = arith.select %gt3A_494, %broadcast_in_dim3A_497, %select_n3A_492 : vector<8x4096xi1>, vector<8x4096xi32>
    %slice3A_499 = vector.extract_strided_slice %dot_general3A_7 {offsets = [656, 0], sizes = [8, 4096], strides = [1, 1]} : vector<1024x4096xf32> to vector<8x4096xf32>
    %gt3A_500 = arith.cmpf ogt, %slice3A_499, %select_n3A_495 : vector<8x4096xf32>
    %select_n3A_501 = arith.select %gt3A_500, %slice3A_499, %select_n3A_495 : vector<8x4096xi1>, vector<8x4096xf32>
    %jit3A_502 = arith.constant 82 : i32
    %broadcast_in_dim3A_503 = vector.broadcast %jit3A_502 : i32 to vector<8x4096xi32>
    %select_n3A_504 = arith.select %gt3A_500, %broadcast_in_dim3A_503, %select_n3A_498 : vector<8x4096xi1>, vector<8x4096xi32>
    %slice3A_505 = vector.extract_strided_slice %dot_general3A_7 {offsets = [664, 0], sizes = [8, 4096], strides = [1, 1]} : vector<1024x4096xf32> to vector<8x4096xf32>
    %gt3A_506 = arith.cmpf ogt, %slice3A_505, %select_n3A_501 : vector<8x4096xf32>
    %select_n3A_507 = arith.select %gt3A_506, %slice3A_505, %select_n3A_501 : vector<8x4096xi1>, vector<8x4096xf32>
    %jit3A_508 = arith.constant 83 : i32
    %broadcast_in_dim3A_509 = vector.broadcast %jit3A_508 : i32 to vector<8x4096xi32>
    %select_n3A_510 = arith.select %gt3A_506, %broadcast_in_dim3A_509, %select_n3A_504 : vector<8x4096xi1>, vector<8x4096xi32>
    %slice3A_511 = vector.extract_strided_slice %dot_general3A_7 {offsets = [672, 0], sizes = [8, 4096], strides = [1, 1]} : vector<1024x4096xf32> to vector<8x4096xf32>
    %gt3A_512 = arith.cmpf ogt, %slice3A_511, %select_n3A_507 : vector<8x4096xf32>
    %select_n3A_513 = arith.select %gt3A_512, %slice3A_511, %select_n3A_507 : vector<8x4096xi1>, vector<8x4096xf32>
    %jit3A_514 = arith.constant 84 : i32
    %broadcast_in_dim3A_515 = vector.broadcast %jit3A_514 : i32 to vector<8x4096xi32>
    %select_n3A_516 = arith.select %gt3A_512, %broadcast_in_dim3A_515, %select_n3A_510 : vector<8x4096xi1>, vector<8x4096xi32>
    %slice3A_517 = vector.extract_strided_slice %dot_general3A_7 {offsets = [680, 0], sizes = [8, 4096], strides = [1, 1]} : vector<1024x4096xf32> to vector<8x4096xf32>
    %gt3A_518 = arith.cmpf ogt, %slice3A_517, %select_n3A_513 : vector<8x4096xf32>
    %select_n3A_519 = arith.select %gt3A_518, %slice3A_517, %select_n3A_513 : vector<8x4096xi1>, vector<8x4096xf32>
    %jit3A_520 = arith.constant 85 : i32
    %broadcast_in_dim3A_521 = vector.broadcast %jit3A_520 : i32 to vector<8x4096xi32>
    %select_n3A_522 = arith.select %gt3A_518, %broadcast_in_dim3A_521, %select_n3A_516 : vector<8x4096xi1>, vector<8x4096xi32>
    %slice3A_523 = vector.extract_strided_slice %dot_general3A_7 {offsets = [688, 0], sizes = [8, 4096], strides = [1, 1]} : vector<1024x4096xf32> to vector<8x4096xf32>
    %gt3A_524 = arith.cmpf ogt, %slice3A_523, %select_n3A_519 : vector<8x4096xf32>
    %select_n3A_525 = arith.select %gt3A_524, %slice3A_523, %select_n3A_519 : vector<8x4096xi1>, vector<8x4096xf32>
    %jit3A_526 = arith.constant 86 : i32
    %broadcast_in_dim3A_527 = vector.broadcast %jit3A_526 : i32 to vector<8x4096xi32>
    %select_n3A_528 = arith.select %gt3A_524, %broadcast_in_dim3A_527, %select_n3A_522 : vector<8x4096xi1>, vector<8x4096xi32>
    %slice3A_529 = vector.extract_strided_slice %dot_general3A_7 {offsets = [696, 0], sizes = [8, 4096], strides = [1, 1]} : vector<1024x4096xf32> to vector<8x4096xf32>
    %gt3A_530 = arith.cmpf ogt, %slice3A_529, %select_n3A_525 : vector<8x4096xf32>
    %select_n3A_531 = arith.select %gt3A_530, %slice3A_529, %select_n3A_525 : vector<8x4096xi1>, vector<8x4096xf32>
    %jit3A_532 = arith.constant 87 : i32
    %broadcast_in_dim3A_533 = vector.broadcast %jit3A_532 : i32 to vector<8x4096xi32>
    %select_n3A_534 = arith.select %gt3A_530, %broadcast_in_dim3A_533, %select_n3A_528 : vector<8x4096xi1>, vector<8x4096xi32>
    %slice3A_535 = vector.extract_strided_slice %dot_general3A_7 {offsets = [704, 0], sizes = [8, 4096], strides = [1, 1]} : vector<1024x4096xf32> to vector<8x4096xf32>
    %gt3A_536 = arith.cmpf ogt, %slice3A_535, %select_n3A_531 : vector<8x4096xf32>
    %select_n3A_537 = arith.select %gt3A_536, %slice3A_535, %select_n3A_531 : vector<8x4096xi1>, vector<8x4096xf32>
    %jit3A_538 = arith.constant 88 : i32
    %broadcast_in_dim3A_539 = vector.broadcast %jit3A_538 : i32 to vector<8x4096xi32>
    %select_n3A_540 = arith.select %gt3A_536, %broadcast_in_dim3A_539, %select_n3A_534 : vector<8x4096xi1>, vector<8x4096xi32>
    %slice3A_541 = vector.extract_strided_slice %dot_general3A_7 {offsets = [712, 0], sizes = [8, 4096], strides = [1, 1]} : vector<1024x4096xf32> to vector<8x4096xf32>
    %gt3A_542 = arith.cmpf ogt, %slice3A_541, %select_n3A_537 : vector<8x4096xf32>
    %select_n3A_543 = arith.select %gt3A_542, %slice3A_541, %select_n3A_537 : vector<8x4096xi1>, vector<8x4096xf32>
    %jit3A_544 = arith.constant 89 : i32
    %broadcast_in_dim3A_545 = vector.broadcast %jit3A_544 : i32 to vector<8x4096xi32>
    %select_n3A_546 = arith.select %gt3A_542, %broadcast_in_dim3A_545, %select_n3A_540 : vector<8x4096xi1>, vector<8x4096xi32>
    %slice3A_547 = vector.extract_strided_slice %dot_general3A_7 {offsets = [720, 0], sizes = [8, 4096], strides = [1, 1]} : vector<1024x4096xf32> to vector<8x4096xf32>
    %gt3A_548 = arith.cmpf ogt, %slice3A_547, %select_n3A_543 : vector<8x4096xf32>
    %select_n3A_549 = arith.select %gt3A_548, %slice3A_547, %select_n3A_543 : vector<8x4096xi1>, vector<8x4096xf32>
    %jit3A_550 = arith.constant 90 : i32
    %broadcast_in_dim3A_551 = vector.broadcast %jit3A_550 : i32 to vector<8x4096xi32>
    %select_n3A_552 = arith.select %gt3A_548, %broadcast_in_dim3A_551, %select_n3A_546 : vector<8x4096xi1>, vector<8x4096xi32>
    %slice3A_553 = vector.extract_strided_slice %dot_general3A_7 {offsets = [728, 0], sizes = [8, 4096], strides = [1, 1]} : vector<1024x4096xf32> to vector<8x4096xf32>
    %gt3A_554 = arith.cmpf ogt, %slice3A_553, %select_n3A_549 : vector<8x4096xf32>
    %select_n3A_555 = arith.select %gt3A_554, %slice3A_553, %select_n3A_549 : vector<8x4096xi1>, vector<8x4096xf32>
    %jit3A_556 = arith.constant 91 : i32
    %broadcast_in_dim3A_557 = vector.broadcast %jit3A_556 : i32 to vector<8x4096xi32>
    %select_n3A_558 = arith.select %gt3A_554, %broadcast_in_dim3A_557, %select_n3A_552 : vector<8x4096xi1>, vector<8x4096xi32>
    %slice3A_559 = vector.extract_strided_slice %dot_general3A_7 {offsets = [736, 0], sizes = [8, 4096], strides = [1, 1]} : vector<1024x4096xf32> to vector<8x4096xf32>
    %gt3A_560 = arith.cmpf ogt, %slice3A_559, %select_n3A_555 : vector<8x4096xf32>
    %select_n3A_561 = arith.select %gt3A_560, %slice3A_559, %select_n3A_555 : vector<8x4096xi1>, vector<8x4096xf32>
    %jit3A_562 = arith.constant 92 : i32
    %broadcast_in_dim3A_563 = vector.broadcast %jit3A_562 : i32 to vector<8x4096xi32>
    %select_n3A_564 = arith.select %gt3A_560, %broadcast_in_dim3A_563, %select_n3A_558 : vector<8x4096xi1>, vector<8x4096xi32>
    %slice3A_565 = vector.extract_strided_slice %dot_general3A_7 {offsets = [744, 0], sizes = [8, 4096], strides = [1, 1]} : vector<1024x4096xf32> to vector<8x4096xf32>
    %gt3A_566 = arith.cmpf ogt, %slice3A_565, %select_n3A_561 : vector<8x4096xf32>
    %select_n3A_567 = arith.select %gt3A_566, %slice3A_565, %select_n3A_561 : vector<8x4096xi1>, vector<8x4096xf32>
    %jit3A_568 = arith.constant 93 : i32
    %broadcast_in_dim3A_569 = vector.broadcast %jit3A_568 : i32 to vector<8x4096xi32>
    %select_n3A_570 = arith.select %gt3A_566, %broadcast_in_dim3A_569, %select_n3A_564 : vector<8x4096xi1>, vector<8x4096xi32>
    %slice3A_571 = vector.extract_strided_slice %dot_general3A_7 {offsets = [752, 0], sizes = [8, 4096], strides = [1, 1]} : vector<1024x4096xf32> to vector<8x4096xf32>
    %gt3A_572 = arith.cmpf ogt, %slice3A_571, %select_n3A_567 : vector<8x4096xf32>
    %select_n3A_573 = arith.select %gt3A_572, %slice3A_571, %select_n3A_567 : vector<8x4096xi1>, vector<8x4096xf32>
    %jit3A_574 = arith.constant 94 : i32
    %broadcast_in_dim3A_575 = vector.broadcast %jit3A_574 : i32 to vector<8x4096xi32>
    %select_n3A_576 = arith.select %gt3A_572, %broadcast_in_dim3A_575, %select_n3A_570 : vector<8x4096xi1>, vector<8x4096xi32>
    %slice3A_577 = vector.extract_strided_slice %dot_general3A_7 {offsets = [760, 0], sizes = [8, 4096], strides = [1, 1]} : vector<1024x4096xf32> to vector<8x4096xf32>
    %gt3A_578 = arith.cmpf ogt, %slice3A_577, %select_n3A_573 : vector<8x4096xf32>
    %select_n3A_579 = arith.select %gt3A_578, %slice3A_577, %select_n3A_573 : vector<8x4096xi1>, vector<8x4096xf32>
    %jit3A_580 = arith.constant 95 : i32
    %broadcast_in_dim3A_581 = vector.broadcast %jit3A_580 : i32 to vector<8x4096xi32>
    %select_n3A_582 = arith.select %gt3A_578, %broadcast_in_dim3A_581, %select_n3A_576 : vector<8x4096xi1>, vector<8x4096xi32>
    %slice3A_583 = vector.extract_strided_slice %dot_general3A_7 {offsets = [768, 0], sizes = [8, 4096], strides = [1, 1]} : vector<1024x4096xf32> to vector<8x4096xf32>
    %gt3A_584 = arith.cmpf ogt, %slice3A_583, %select_n3A_579 : vector<8x4096xf32>
    %select_n3A_585 = arith.select %gt3A_584, %slice3A_583, %select_n3A_579 : vector<8x4096xi1>, vector<8x4096xf32>
    %jit3A_586 = arith.constant 96 : i32
    %broadcast_in_dim3A_587 = vector.broadcast %jit3A_586 : i32 to vector<8x4096xi32>
    %select_n3A_588 = arith.select %gt3A_584, %broadcast_in_dim3A_587, %select_n3A_582 : vector<8x4096xi1>, vector<8x4096xi32>
    %slice3A_589 = vector.extract_strided_slice %dot_general3A_7 {offsets = [776, 0], sizes = [8, 4096], strides = [1, 1]} : vector<1024x4096xf32> to vector<8x4096xf32>
    %gt3A_590 = arith.cmpf ogt, %slice3A_589, %select_n3A_585 : vector<8x4096xf32>
    %select_n3A_591 = arith.select %gt3A_590, %slice3A_589, %select_n3A_585 : vector<8x4096xi1>, vector<8x4096xf32>
    %jit3A_592 = arith.constant 97 : i32
    %broadcast_in_dim3A_593 = vector.broadcast %jit3A_592 : i32 to vector<8x4096xi32>
    %select_n3A_594 = arith.select %gt3A_590, %broadcast_in_dim3A_593, %select_n3A_588 : vector<8x4096xi1>, vector<8x4096xi32>
    %slice3A_595 = vector.extract_strided_slice %dot_general3A_7 {offsets = [784, 0], sizes = [8, 4096], strides = [1, 1]} : vector<1024x4096xf32> to vector<8x4096xf32>
    %gt3A_596 = arith.cmpf ogt, %slice3A_595, %select_n3A_591 : vector<8x4096xf32>
    %select_n3A_597 = arith.select %gt3A_596, %slice3A_595, %select_n3A_591 : vector<8x4096xi1>, vector<8x4096xf32>
    %jit3A_598 = arith.constant 98 : i32
    %broadcast_in_dim3A_599 = vector.broadcast %jit3A_598 : i32 to vector<8x4096xi32>
    %select_n3A_600 = arith.select %gt3A_596, %broadcast_in_dim3A_599, %select_n3A_594 : vector<8x4096xi1>, vector<8x4096xi32>
    %slice3A_601 = vector.extract_strided_slice %dot_general3A_7 {offsets = [792, 0], sizes = [8, 4096], strides = [1, 1]} : vector<1024x4096xf32> to vector<8x4096xf32>
    %gt3A_602 = arith.cmpf ogt, %slice3A_601, %select_n3A_597 : vector<8x4096xf32>
    %select_n3A_603 = arith.select %gt3A_602, %slice3A_601, %select_n3A_597 : vector<8x4096xi1>, vector<8x4096xf32>
    %jit3A_604 = arith.constant 99 : i32
    %broadcast_in_dim3A_605 = vector.broadcast %jit3A_604 : i32 to vector<8x4096xi32>
    %select_n3A_606 = arith.select %gt3A_602, %broadcast_in_dim3A_605, %select_n3A_600 : vector<8x4096xi1>, vector<8x4096xi32>
    %slice3A_607 = vector.extract_strided_slice %dot_general3A_7 {offsets = [800, 0], sizes = [8, 4096], strides = [1, 1]} : vector<1024x4096xf32> to vector<8x4096xf32>
    %gt3A_608 = arith.cmpf ogt, %slice3A_607, %select_n3A_603 : vector<8x4096xf32>
    %select_n3A_609 = arith.select %gt3A_608, %slice3A_607, %select_n3A_603 : vector<8x4096xi1>, vector<8x4096xf32>
    %jit3A_610 = arith.constant 100 : i32
    %broadcast_in_dim3A_611 = vector.broadcast %jit3A_610 : i32 to vector<8x4096xi32>
    %select_n3A_612 = arith.select %gt3A_608, %broadcast_in_dim3A_611, %select_n3A_606 : vector<8x4096xi1>, vector<8x4096xi32>
    %slice3A_613 = vector.extract_strided_slice %dot_general3A_7 {offsets = [808, 0], sizes = [8, 4096], strides = [1, 1]} : vector<1024x4096xf32> to vector<8x4096xf32>
    %gt3A_614 = arith.cmpf ogt, %slice3A_613, %select_n3A_609 : vector<8x4096xf32>
    %select_n3A_615 = arith.select %gt3A_614, %slice3A_613, %select_n3A_609 : vector<8x4096xi1>, vector<8x4096xf32>
    %jit3A_616 = arith.constant 101 : i32
    %broadcast_in_dim3A_617 = vector.broadcast %jit3A_616 : i32 to vector<8x4096xi32>
    %select_n3A_618 = arith.select %gt3A_614, %broadcast_in_dim3A_617, %select_n3A_612 : vector<8x4096xi1>, vector<8x4096xi32>
    %slice3A_619 = vector.extract_strided_slice %dot_general3A_7 {offsets = [816, 0], sizes = [8, 4096], strides = [1, 1]} : vector<1024x4096xf32> to vector<8x4096xf32>
    %gt3A_620 = arith.cmpf ogt, %slice3A_619, %select_n3A_615 : vector<8x4096xf32>
    %select_n3A_621 = arith.select %gt3A_620, %slice3A_619, %select_n3A_615 : vector<8x4096xi1>, vector<8x4096xf32>
    %jit3A_622 = arith.constant 102 : i32
    %broadcast_in_dim3A_623 = vector.broadcast %jit3A_622 : i32 to vector<8x4096xi32>
    %select_n3A_624 = arith.select %gt3A_620, %broadcast_in_dim3A_623, %select_n3A_618 : vector<8x4096xi1>, vector<8x4096xi32>
    %slice3A_625 = vector.extract_strided_slice %dot_general3A_7 {offsets = [824, 0], sizes = [8, 4096], strides = [1, 1]} : vector<1024x4096xf32> to vector<8x4096xf32>
    %gt3A_626 = arith.cmpf ogt, %slice3A_625, %select_n3A_621 : vector<8x4096xf32>
    %select_n3A_627 = arith.select %gt3A_626, %slice3A_625, %select_n3A_621 : vector<8x4096xi1>, vector<8x4096xf32>
    %jit3A_628 = arith.constant 103 : i32
    %broadcast_in_dim3A_629 = vector.broadcast %jit3A_628 : i32 to vector<8x4096xi32>
    %select_n3A_630 = arith.select %gt3A_626, %broadcast_in_dim3A_629, %select_n3A_624 : vector<8x4096xi1>, vector<8x4096xi32>
    %slice3A_631 = vector.extract_strided_slice %dot_general3A_7 {offsets = [832, 0], sizes = [8, 4096], strides = [1, 1]} : vector<1024x4096xf32> to vector<8x4096xf32>
    %gt3A_632 = arith.cmpf ogt, %slice3A_631, %select_n3A_627 : vector<8x4096xf32>
    %select_n3A_633 = arith.select %gt3A_632, %slice3A_631, %select_n3A_627 : vector<8x4096xi1>, vector<8x4096xf32>
    %jit3A_634 = arith.constant 104 : i32
    %broadcast_in_dim3A_635 = vector.broadcast %jit3A_634 : i32 to vector<8x4096xi32>
    %select_n3A_636 = arith.select %gt3A_632, %broadcast_in_dim3A_635, %select_n3A_630 : vector<8x4096xi1>, vector<8x4096xi32>
    %slice3A_637 = vector.extract_strided_slice %dot_general3A_7 {offsets = [840, 0], sizes = [8, 4096], strides = [1, 1]} : vector<1024x4096xf32> to vector<8x4096xf32>
    %gt3A_638 = arith.cmpf ogt, %slice3A_637, %select_n3A_633 : vector<8x4096xf32>
    %select_n3A_639 = arith.select %gt3A_638, %slice3A_637, %select_n3A_633 : vector<8x4096xi1>, vector<8x4096xf32>
    %jit3A_640 = arith.constant 105 : i32
    %broadcast_in_dim3A_641 = vector.broadcast %jit3A_640 : i32 to vector<8x4096xi32>
    %select_n3A_642 = arith.select %gt3A_638, %broadcast_in_dim3A_641, %select_n3A_636 : vector<8x4096xi1>, vector<8x4096xi32>
    %slice3A_643 = vector.extract_strided_slice %dot_general3A_7 {offsets = [848, 0], sizes = [8, 4096], strides = [1, 1]} : vector<1024x4096xf32> to vector<8x4096xf32>
    %gt3A_644 = arith.cmpf ogt, %slice3A_643, %select_n3A_639 : vector<8x4096xf32>
    %select_n3A_645 = arith.select %gt3A_644, %slice3A_643, %select_n3A_639 : vector<8x4096xi1>, vector<8x4096xf32>
    %jit3A_646 = arith.constant 106 : i32
    %broadcast_in_dim3A_647 = vector.broadcast %jit3A_646 : i32 to vector<8x4096xi32>
    %select_n3A_648 = arith.select %gt3A_644, %broadcast_in_dim3A_647, %select_n3A_642 : vector<8x4096xi1>, vector<8x4096xi32>
    %slice3A_649 = vector.extract_strided_slice %dot_general3A_7 {offsets = [856, 0], sizes = [8, 4096], strides = [1, 1]} : vector<1024x4096xf32> to vector<8x4096xf32>
    %gt3A_650 = arith.cmpf ogt, %slice3A_649, %select_n3A_645 : vector<8x4096xf32>
    %select_n3A_651 = arith.select %gt3A_650, %slice3A_649, %select_n3A_645 : vector<8x4096xi1>, vector<8x4096xf32>
    %jit3A_652 = arith.constant 107 : i32
    %broadcast_in_dim3A_653 = vector.broadcast %jit3A_652 : i32 to vector<8x4096xi32>
    %select_n3A_654 = arith.select %gt3A_650, %broadcast_in_dim3A_653, %select_n3A_648 : vector<8x4096xi1>, vector<8x4096xi32>
    %slice3A_655 = vector.extract_strided_slice %dot_general3A_7 {offsets = [864, 0], sizes = [8, 4096], strides = [1, 1]} : vector<1024x4096xf32> to vector<8x4096xf32>
    %gt3A_656 = arith.cmpf ogt, %slice3A_655, %select_n3A_651 : vector<8x4096xf32>
    %select_n3A_657 = arith.select %gt3A_656, %slice3A_655, %select_n3A_651 : vector<8x4096xi1>, vector<8x4096xf32>
    %jit3A_658 = arith.constant 108 : i32
    %broadcast_in_dim3A_659 = vector.broadcast %jit3A_658 : i32 to vector<8x4096xi32>
    %select_n3A_660 = arith.select %gt3A_656, %broadcast_in_dim3A_659, %select_n3A_654 : vector<8x4096xi1>, vector<8x4096xi32>
    %slice3A_661 = vector.extract_strided_slice %dot_general3A_7 {offsets = [872, 0], sizes = [8, 4096], strides = [1, 1]} : vector<1024x4096xf32> to vector<8x4096xf32>
    %gt3A_662 = arith.cmpf ogt, %slice3A_661, %select_n3A_657 : vector<8x4096xf32>
    %select_n3A_663 = arith.select %gt3A_662, %slice3A_661, %select_n3A_657 : vector<8x4096xi1>, vector<8x4096xf32>
    %jit3A_664 = arith.constant 109 : i32
    %broadcast_in_dim3A_665 = vector.broadcast %jit3A_664 : i32 to vector<8x4096xi32>
    %select_n3A_666 = arith.select %gt3A_662, %broadcast_in_dim3A_665, %select_n3A_660 : vector<8x4096xi1>, vector<8x4096xi32>
    %slice3A_667 = vector.extract_strided_slice %dot_general3A_7 {offsets = [880, 0], sizes = [8, 4096], strides = [1, 1]} : vector<1024x4096xf32> to vector<8x4096xf32>
    %gt3A_668 = arith.cmpf ogt, %slice3A_667, %select_n3A_663 : vector<8x4096xf32>
    %select_n3A_669 = arith.select %gt3A_668, %slice3A_667, %select_n3A_663 : vector<8x4096xi1>, vector<8x4096xf32>
    %jit3A_670 = arith.constant 110 : i32
    %broadcast_in_dim3A_671 = vector.broadcast %jit3A_670 : i32 to vector<8x4096xi32>
    %select_n3A_672 = arith.select %gt3A_668, %broadcast_in_dim3A_671, %select_n3A_666 : vector<8x4096xi1>, vector<8x4096xi32>
    %slice3A_673 = vector.extract_strided_slice %dot_general3A_7 {offsets = [888, 0], sizes = [8, 4096], strides = [1, 1]} : vector<1024x4096xf32> to vector<8x4096xf32>
    %gt3A_674 = arith.cmpf ogt, %slice3A_673, %select_n3A_669 : vector<8x4096xf32>
    %select_n3A_675 = arith.select %gt3A_674, %slice3A_673, %select_n3A_669 : vector<8x4096xi1>, vector<8x4096xf32>
    %jit3A_676 = arith.constant 111 : i32
    %broadcast_in_dim3A_677 = vector.broadcast %jit3A_676 : i32 to vector<8x4096xi32>
    %select_n3A_678 = arith.select %gt3A_674, %broadcast_in_dim3A_677, %select_n3A_672 : vector<8x4096xi1>, vector<8x4096xi32>
    %slice3A_679 = vector.extract_strided_slice %dot_general3A_7 {offsets = [896, 0], sizes = [8, 4096], strides = [1, 1]} : vector<1024x4096xf32> to vector<8x4096xf32>
    %gt3A_680 = arith.cmpf ogt, %slice3A_679, %select_n3A_675 : vector<8x4096xf32>
    %select_n3A_681 = arith.select %gt3A_680, %slice3A_679, %select_n3A_675 : vector<8x4096xi1>, vector<8x4096xf32>
    %jit3A_682 = arith.constant 112 : i32
    %broadcast_in_dim3A_683 = vector.broadcast %jit3A_682 : i32 to vector<8x4096xi32>
    %select_n3A_684 = arith.select %gt3A_680, %broadcast_in_dim3A_683, %select_n3A_678 : vector<8x4096xi1>, vector<8x4096xi32>
    %slice3A_685 = vector.extract_strided_slice %dot_general3A_7 {offsets = [904, 0], sizes = [8, 4096], strides = [1, 1]} : vector<1024x4096xf32> to vector<8x4096xf32>
    %gt3A_686 = arith.cmpf ogt, %slice3A_685, %select_n3A_681 : vector<8x4096xf32>
    %select_n3A_687 = arith.select %gt3A_686, %slice3A_685, %select_n3A_681 : vector<8x4096xi1>, vector<8x4096xf32>
    %jit3A_688 = arith.constant 113 : i32
    %broadcast_in_dim3A_689 = vector.broadcast %jit3A_688 : i32 to vector<8x4096xi32>
    %select_n3A_690 = arith.select %gt3A_686, %broadcast_in_dim3A_689, %select_n3A_684 : vector<8x4096xi1>, vector<8x4096xi32>
    %slice3A_691 = vector.extract_strided_slice %dot_general3A_7 {offsets = [912, 0], sizes = [8, 4096], strides = [1, 1]} : vector<1024x4096xf32> to vector<8x4096xf32>
    %gt3A_692 = arith.cmpf ogt, %slice3A_691, %select_n3A_687 : vector<8x4096xf32>
    %select_n3A_693 = arith.select %gt3A_692, %slice3A_691, %select_n3A_687 : vector<8x4096xi1>, vector<8x4096xf32>
    %jit3A_694 = arith.constant 114 : i32
    %broadcast_in_dim3A_695 = vector.broadcast %jit3A_694 : i32 to vector<8x4096xi32>
    %select_n3A_696 = arith.select %gt3A_692, %broadcast_in_dim3A_695, %select_n3A_690 : vector<8x4096xi1>, vector<8x4096xi32>
    %slice3A_697 = vector.extract_strided_slice %dot_general3A_7 {offsets = [920, 0], sizes = [8, 4096], strides = [1, 1]} : vector<1024x4096xf32> to vector<8x4096xf32>
    %gt3A_698 = arith.cmpf ogt, %slice3A_697, %select_n3A_693 : vector<8x4096xf32>
    %select_n3A_699 = arith.select %gt3A_698, %slice3A_697, %select_n3A_693 : vector<8x4096xi1>, vector<8x4096xf32>
    %jit3A_700 = arith.constant 115 : i32
    %broadcast_in_dim3A_701 = vector.broadcast %jit3A_700 : i32 to vector<8x4096xi32>
    %select_n3A_702 = arith.select %gt3A_698, %broadcast_in_dim3A_701, %select_n3A_696 : vector<8x4096xi1>, vector<8x4096xi32>
    %slice3A_703 = vector.extract_strided_slice %dot_general3A_7 {offsets = [928, 0], sizes = [8, 4096], strides = [1, 1]} : vector<1024x4096xf32> to vector<8x4096xf32>
    %gt3A_704 = arith.cmpf ogt, %slice3A_703, %select_n3A_699 : vector<8x4096xf32>
    %select_n3A_705 = arith.select %gt3A_704, %slice3A_703, %select_n3A_699 : vector<8x4096xi1>, vector<8x4096xf32>
    %jit3A_706 = arith.constant 116 : i32
    %broadcast_in_dim3A_707 = vector.broadcast %jit3A_706 : i32 to vector<8x4096xi32>
    %select_n3A_708 = arith.select %gt3A_704, %broadcast_in_dim3A_707, %select_n3A_702 : vector<8x4096xi1>, vector<8x4096xi32>
    %slice3A_709 = vector.extract_strided_slice %dot_general3A_7 {offsets = [936, 0], sizes = [8, 4096], strides = [1, 1]} : vector<1024x4096xf32> to vector<8x4096xf32>
    %gt3A_710 = arith.cmpf ogt, %slice3A_709, %select_n3A_705 : vector<8x4096xf32>
    %select_n3A_711 = arith.select %gt3A_710, %slice3A_709, %select_n3A_705 : vector<8x4096xi1>, vector<8x4096xf32>
    %jit3A_712 = arith.constant 117 : i32
    %broadcast_in_dim3A_713 = vector.broadcast %jit3A_712 : i32 to vector<8x4096xi32>
    %select_n3A_714 = arith.select %gt3A_710, %broadcast_in_dim3A_713, %select_n3A_708 : vector<8x4096xi1>, vector<8x4096xi32>
    %slice3A_715 = vector.extract_strided_slice %dot_general3A_7 {offsets = [944, 0], sizes = [8, 4096], strides = [1, 1]} : vector<1024x4096xf32> to vector<8x4096xf32>
    %gt3A_716 = arith.cmpf ogt, %slice3A_715, %select_n3A_711 : vector<8x4096xf32>
    %select_n3A_717 = arith.select %gt3A_716, %slice3A_715, %select_n3A_711 : vector<8x4096xi1>, vector<8x4096xf32>
    %jit3A_718 = arith.constant 118 : i32
    %broadcast_in_dim3A_719 = vector.broadcast %jit3A_718 : i32 to vector<8x4096xi32>
    %select_n3A_720 = arith.select %gt3A_716, %broadcast_in_dim3A_719, %select_n3A_714 : vector<8x4096xi1>, vector<8x4096xi32>
    %slice3A_721 = vector.extract_strided_slice %dot_general3A_7 {offsets = [952, 0], sizes = [8, 4096], strides = [1, 1]} : vector<1024x4096xf32> to vector<8x4096xf32>
    %gt3A_722 = arith.cmpf ogt, %slice3A_721, %select_n3A_717 : vector<8x4096xf32>
    %select_n3A_723 = arith.select %gt3A_722, %slice3A_721, %select_n3A_717 : vector<8x4096xi1>, vector<8x4096xf32>
    %jit3A_724 = arith.constant 119 : i32
    %broadcast_in_dim3A_725 = vector.broadcast %jit3A_724 : i32 to vector<8x4096xi32>
    %select_n3A_726 = arith.select %gt3A_722, %broadcast_in_dim3A_725, %select_n3A_720 : vector<8x4096xi1>, vector<8x4096xi32>
    %slice3A_727 = vector.extract_strided_slice %dot_general3A_7 {offsets = [960, 0], sizes = [8, 4096], strides = [1, 1]} : vector<1024x4096xf32> to vector<8x4096xf32>
    %gt3A_728 = arith.cmpf ogt, %slice3A_727, %select_n3A_723 : vector<8x4096xf32>
    %select_n3A_729 = arith.select %gt3A_728, %slice3A_727, %select_n3A_723 : vector<8x4096xi1>, vector<8x4096xf32>
    %jit3A_730 = arith.constant 120 : i32
    %broadcast_in_dim3A_731 = vector.broadcast %jit3A_730 : i32 to vector<8x4096xi32>
    %select_n3A_732 = arith.select %gt3A_728, %broadcast_in_dim3A_731, %select_n3A_726 : vector<8x4096xi1>, vector<8x4096xi32>
    %slice3A_733 = vector.extract_strided_slice %dot_general3A_7 {offsets = [968, 0], sizes = [8, 4096], strides = [1, 1]} : vector<1024x4096xf32> to vector<8x4096xf32>
    %gt3A_734 = arith.cmpf ogt, %slice3A_733, %select_n3A_729 : vector<8x4096xf32>
    %select_n3A_735 = arith.select %gt3A_734, %slice3A_733, %select_n3A_729 : vector<8x4096xi1>, vector<8x4096xf32>
    %jit3A_736 = arith.constant 121 : i32
    %broadcast_in_dim3A_737 = vector.broadcast %jit3A_736 : i32 to vector<8x4096xi32>
    %select_n3A_738 = arith.select %gt3A_734, %broadcast_in_dim3A_737, %select_n3A_732 : vector<8x4096xi1>, vector<8x4096xi32>
    %slice3A_739 = vector.extract_strided_slice %dot_general3A_7 {offsets = [976, 0], sizes = [8, 4096], strides = [1, 1]} : vector<1024x4096xf32> to vector<8x4096xf32>
    %gt3A_740 = arith.cmpf ogt, %slice3A_739, %select_n3A_735 : vector<8x4096xf32>
    %select_n3A_741 = arith.select %gt3A_740, %slice3A_739, %select_n3A_735 : vector<8x4096xi1>, vector<8x4096xf32>
    %jit3A_742 = arith.constant 122 : i32
    %broadcast_in_dim3A_743 = vector.broadcast %jit3A_742 : i32 to vector<8x4096xi32>
    %select_n3A_744 = arith.select %gt3A_740, %broadcast_in_dim3A_743, %select_n3A_738 : vector<8x4096xi1>, vector<8x4096xi32>
    %slice3A_745 = vector.extract_strided_slice %dot_general3A_7 {offsets = [984, 0], sizes = [8, 4096], strides = [1, 1]} : vector<1024x4096xf32> to vector<8x4096xf32>
    %gt3A_746 = arith.cmpf ogt, %slice3A_745, %select_n3A_741 : vector<8x4096xf32>
    %select_n3A_747 = arith.select %gt3A_746, %slice3A_745, %select_n3A_741 : vector<8x4096xi1>, vector<8x4096xf32>
    %jit3A_748 = arith.constant 123 : i32
    %broadcast_in_dim3A_749 = vector.broadcast %jit3A_748 : i32 to vector<8x4096xi32>
    %select_n3A_750 = arith.select %gt3A_746, %broadcast_in_dim3A_749, %select_n3A_744 : vector<8x4096xi1>, vector<8x4096xi32>
    %slice3A_751 = vector.extract_strided_slice %dot_general3A_7 {offsets = [992, 0], sizes = [8, 4096], strides = [1, 1]} : vector<1024x4096xf32> to vector<8x4096xf32>
    %gt3A_752 = arith.cmpf ogt, %slice3A_751, %select_n3A_747 : vector<8x4096xf32>
    %select_n3A_753 = arith.select %gt3A_752, %slice3A_751, %select_n3A_747 : vector<8x4096xi1>, vector<8x4096xf32>
    %jit3A_754 = arith.constant 124 : i32
    %broadcast_in_dim3A_755 = vector.broadcast %jit3A_754 : i32 to vector<8x4096xi32>
    %select_n3A_756 = arith.select %gt3A_752, %broadcast_in_dim3A_755, %select_n3A_750 : vector<8x4096xi1>, vector<8x4096xi32>
    %slice3A_757 = vector.extract_strided_slice %dot_general3A_7 {offsets = [1000, 0], sizes = [8, 4096], strides = [1, 1]} : vector<1024x4096xf32> to vector<8x4096xf32>
    %gt3A_758 = arith.cmpf ogt, %slice3A_757, %select_n3A_753 : vector<8x4096xf32>
    %select_n3A_759 = arith.select %gt3A_758, %slice3A_757, %select_n3A_753 : vector<8x4096xi1>, vector<8x4096xf32>
    %jit3A_760 = arith.constant 125 : i32
    %broadcast_in_dim3A_761 = vector.broadcast %jit3A_760 : i32 to vector<8x4096xi32>
    %select_n3A_762 = arith.select %gt3A_758, %broadcast_in_dim3A_761, %select_n3A_756 : vector<8x4096xi1>, vector<8x4096xi32>
    %slice3A_763 = vector.extract_strided_slice %dot_general3A_7 {offsets = [1008, 0], sizes = [8, 4096], strides = [1, 1]} : vector<1024x4096xf32> to vector<8x4096xf32>
    %gt3A_764 = arith.cmpf ogt, %slice3A_763, %select_n3A_759 : vector<8x4096xf32>
    %select_n3A_765 = arith.select %gt3A_764, %slice3A_763, %select_n3A_759 : vector<8x4096xi1>, vector<8x4096xf32>
    %jit3A_766 = arith.constant 126 : i32
    %broadcast_in_dim3A_767 = vector.broadcast %jit3A_766 : i32 to vector<8x4096xi32>
    %select_n3A_768 = arith.select %gt3A_764, %broadcast_in_dim3A_767, %select_n3A_762 : vector<8x4096xi1>, vector<8x4096xi32>
    %slice3A_769 = vector.extract_strided_slice %dot_general3A_7 {offsets = [1016, 0], sizes = [8, 4096], strides = [1, 1]} : vector<1024x4096xf32> to vector<8x4096xf32>
    %gt3A_770 = arith.cmpf ogt, %slice3A_769, %select_n3A_765 : vector<8x4096xf32>
    %select_n3A_771 = arith.select %gt3A_770, %slice3A_769, %select_n3A_765 : vector<8x4096xi1>, vector<8x4096xf32>
    %jit3A_772 = arith.constant 127 : i32
    %broadcast_in_dim3A_773 = vector.broadcast %jit3A_772 : i32 to vector<8x4096xi32>
    %select_n3A_774 = arith.select %gt3A_770, %broadcast_in_dim3A_773, %select_n3A_768 : vector<8x4096xi1>, vector<8x4096xi32>
    %iota3A = tpu.iota {dimensions = array<i32: 0>} : vector<8x4096xi32>
    %mul3A = arith.constant 1024 : i32
    %mul3A_775 = arith.muli %arg1, %mul3A : i32
    %mul3A_776 = arith.constant 8 : i32
    %mul3A_777 = vector.broadcast %mul3A_776 : i32 to vector<8x4096xi32>
    %mul3A_778 = arith.muli %select_n3A_774, %mul3A_777 : vector<8x4096xi32>
    %add3A = arith.addi %mul3A_778, %iota3A : vector<8x4096xi32>
    %add3A_779 = vector.broadcast %mul3A_775 : i32 to vector<8x4096xi32>
    %add3A_780 = arith.addi %add3A_779, %add3A : vector<8x4096xi32>
    %eq3A = arith.constant 0 : i32
    %eq3A_781 = arith.cmpi eq, %arg1, %eq3A : i32
    %get3A_782 = arith.constant 0 : index
    %get3A_783 = arith.constant 0 : index
    %get3A_784 = vector.load %arg5[%get3A_782, %get3A_783] : memref<8x4096xf32, #tpu.memory_space<vmem>>, vector<8x4096xf32>
    %jit3A_785 = arith.constant 0xFF800000 : f32
    %broadcast_in_dim3A_786 = vector.broadcast %jit3A_785 : f32 to vector<8x4096xf32>
    %select_n3A_787 = arith.select %eq3A_781, %broadcast_in_dim3A_786, %get3A_784 : vector<8x4096xf32>
    %eq3A_788 = arith.constant 0 : i32
    %eq3A_789 = arith.cmpi eq, %arg1, %eq3A_788 : i32
    %get3A_790 = arith.constant 0 : index
    %get3A_791 = arith.constant 0 : index
    %get3A_792 = vector.load %arg6[%get3A_790, %get3A_791] : memref<8x4096xi32, #tpu.memory_space<vmem>>, vector<8x4096xi32>
    %jit3A_793 = arith.constant 0 : i32
    %broadcast_in_dim3A_794 = vector.broadcast %jit3A_793 : i32 to vector<8x4096xi32>
    %select_n3A_795 = arith.select %eq3A_789, %broadcast_in_dim3A_794, %get3A_792 : vector<8x4096xi32>
    %gt3A_796 = arith.cmpf ogt, %select_n3A_771, %select_n3A_787 : vector<8x4096xf32>
    %select_n3A_797 = arith.select %gt3A_796, %select_n3A_771, %select_n3A_787 : vector<8x4096xi1>, vector<8x4096xf32>
    %swap3A = arith.constant 0 : index
    %swap3A_798 = arith.constant 0 : index
    %swap3A_799 = vector.load %arg5[%swap3A, %swap3A_798] : memref<8x4096xf32, #tpu.memory_space<vmem>>, vector<8x4096xf32>
    tpu.vector_store %arg5[%swap3A, %swap3A_798], %select_n3A_797 {strides = array<i32>} : memref<8x4096xf32, #tpu.memory_space<vmem>>, vector<8x4096xf32>,
    %select_n3A_800 = arith.select %gt3A_796, %add3A_780, %select_n3A_795 : vector<8x4096xi1>, vector<8x4096xi32>
    %swap3A_801 = arith.constant 0 : index
    %swap3A_802 = arith.constant 0 : index
    %swap3A_803 = vector.load %arg6[%swap3A_801, %swap3A_802] : memref<8x4096xi32, #tpu.memory_space<vmem>>, vector<8x4096xi32>
    tpu.vector_store %arg6[%swap3A_801, %swap3A_802], %select_n3A_800 {strides = array<i32>} : memref<8x4096xi32, #tpu.memory_space<vmem>>, vector<8x4096xi32>,
    %eq3A_804 = arith.constant 31 : i32
    %eq3A_805 = arith.cmpi eq, %arg1, %eq3A_804 : i32
    %convert_element_type3A = arith.extui %eq3A_805 : i1 to i32
    %cond3A = arith.constant 0 : i32
    %cond3A_806 = arith.cmpi ne, %convert_element_type3A, %cond3A : i32
    scf.if %cond3A_806 {
      %get3A_807 = arith.constant 0 : index
      %get3A_808 = arith.constant 0 : index
      %get3A_809 = vector.load %arg5[%get3A_807, %get3A_808] : memref<8x4096xf32, #tpu.memory_space<vmem>>, vector<8x4096xf32>
      %get3A_810 = arith.constant 0 : index
      %get3A_811 = arith.constant 0 : index
      %get3A_812 = vector.load %arg6[%get3A_810, %get3A_811] : memref<8x4096xi32, #tpu.memory_space<vmem>>, vector<8x4096xi32>
      %reduce_max3A = arith.constant dense<0xFF800000> : vector<4096xf32>
      %reduce_max3A_813 = vector.multi_reduction <maximumf>, %get3A_809, %reduce_max3A [0] : vector<8x4096xf32> to vector<4096xf32>
      %broadcast_in_dim3A_814 = vector.shape_cast %reduce_max3A_813 : vector<4096xf32> to vector<1x4096xf32>
      %eq3A_815 = vector.broadcast %broadcast_in_dim3A_814 : vector<1x4096xf32> to vector<8x4096xf32>
      %eq3A_816 = arith.cmpf oeq, %get3A_809, %eq3A_815 : vector<8x4096xf32>
      %jit3A_817 = arith.constant 1073741824 : i32
      %broadcast_in_dim3A_818 = vector.broadcast %jit3A_817 : i32 to vector<8x4096xi32>
      %select_n3A_819 = arith.select %eq3A_816, %get3A_812, %broadcast_in_dim3A_818 : vector<8x4096xi1>, vector<8x4096xi32>
      %reduce_min3A = arith.constant dense<2147483647> : vector<4096xi32>
      %reduce_min3A_820 = vector.multi_reduction <minsi>, %select_n3A_819, %reduce_min3A [0] : vector<8x4096xi32> to vector<4096xi32>
      %swap3A_821 = arith.constant 0 : index
      %swap3A_822 = arith.constant 0 : index
      %swap3A_823 = arith.constant 0 : index
      %swap3A_824 = vector.load %arg4[%swap3A_821, %swap3A_822, %swap3A_823] : memref<1x1x4096xi32, #tpu.memory_space<vmem>>, vector<1x1x4096xi32>
      %swap3A_825 = vector.shape_cast %swap3A_824 : vector<1x1x4096xi32> to vector<4096xi32>
      %swap3A_826 = vector.shape_cast %reduce_min3A_820 : vector<4096xi32> to vector<1x1x4096xi32>
      tpu.vector_store %arg4[%swap3A_821, %swap3A_822, %swap3A_823], %swap3A_826 {strides = array<i32>} : memref<1x1x4096xi32, #tpu.memory_space<vmem>>, vector<1x1x4096xi32>,
    } else {
    }
    return
  }
  func.func @transform_0(%arg0: i32, %arg1: i32) -> (i32, i32) {
    %c0_i32 = arith.constant 0 : i32
    %c0_i32_0 = arith.constant 0 : i32
    return %c0_i32, %arg0 : i32, i32
  }
  func.func @transform_1(%arg0: i32, %arg1: i32) -> (i32, i32, i32) {
    %c0_i32 = arith.constant 0 : i32
    %c0_i32_0 = arith.constant 0 : i32
    %c0_i32_1 = arith.constant 0 : i32
    return %arg1, %c0_i32, %c0_i32_0 : i32, i32, i32
  }
  func.func @transform_2(%arg0: i32, %arg1: i32) -> (i32, i32, i32) {
    %c0_i32 = arith.constant 0 : i32
    %c0_i32_0 = arith.constant 0 : i32
    %c0_i32_1 = arith.constant 0 : i32
    return %arg0, %c0_i32, %c0_i32_0 : i32, i32, i32
  }
}

module attributes {stable_mosaic.version = 14 : i64} {
  func.func @_finish_body(%arg0: i32, %arg1: memref<8192x4xf32, #tpu.memory_space<vmem>>, %arg2: memref<8192x4xf32, #tpu.memory_space<vmem>>, %arg3: memref<8192x4xf32, #tpu.memory_space<vmem>>, %arg4: memref<1x1xf32, #tpu.memory_space<smem>>, %arg5: memref<1x1xf32, #tpu.memory_space<smem>>) attributes {dimension_semantics = [#tpu.dimension_semantics<arbitrary>], iteration_bounds = array<i64: 8>, scalar_prefetch = 0 : i64, scratch_operands = 1 : i64, tpu.core_type = #tpu.core_type<tc>, window_params = [{transform_indices = @transform_0, window_bounds = array<i64: 8192, 4>}, {transform_indices = @transform_1, window_bounds = array<i64: 8192, 4>}, {transform_indices = @transform_2, window_bounds = array<i64: 8192, 4>}, {transform_indices = @transform_3, window_bounds = array<i64: 1, 1>}]} {
    %get3A = arith.constant 0 : index
    %get3A_0 = arith.constant 0 : index
    %get3A_1 = vector.load %arg1[%get3A, %get3A_0] : memref<8192x4xf32, #tpu.memory_space<vmem>>, vector<8192x4xf32>
    %get3A_2 = arith.constant 0 : index
    %get3A_3 = arith.constant 0 : index
    %get3A_4 = vector.load %arg2[%get3A_2, %get3A_3] : memref<8192x4xf32, #tpu.memory_space<vmem>>, vector<8192x4xf32>
    %sub3A = arith.subf %get3A_4, %get3A_1 : vector<8192x4xf32>
    %add3A = arith.addf %get3A_1, %sub3A : vector<8192x4xf32>
    %swap3A = arith.constant 0 : index
    %swap3A_5 = arith.constant 0 : index
    %swap3A_6 = vector.load %arg3[%swap3A, %swap3A_5] : memref<8192x4xf32, #tpu.memory_space<vmem>>, vector<8192x4xf32>
    tpu.vector_store %arg3[%swap3A, %swap3A_5], %add3A {strides = array<i32>} : memref<8192x4xf32, #tpu.memory_space<vmem>>, vector<8192x4xf32>,
    %mul3A = arith.mulf %sub3A, %sub3A : vector<8192x4xf32>
    %reduce_sum3A = vector.shape_cast %mul3A : vector<8192x4xf32> to vector<1x8192x4xf32>
    %reduce_sum3A_7 = arith.constant dense<0.000000e+00> : vector<1xf32>
    %reduce_sum3A_8 = vector.multi_reduction <add>, %reduce_sum3A, %reduce_sum3A_7 [1, 2] : vector<1x8192x4xf32> to vector<1xf32>
    %reduce_sum3A_9 = vector.shape_cast %reduce_sum3A_8 : vector<1xf32> to vector<1x1x1xf32>
    %reduce_sum3A_10 = vector.extract %reduce_sum3A_9[0, 0, 0] : f32 from vector<1x1x1xf32>
    %eq3A = arith.constant 0 : i32
    %eq3A_11 = arith.cmpi eq, %arg0, %eq3A : i32
    %convert_element_type3A = arith.extui %eq3A_11 : i1 to i32
    %cond3A = arith.constant 0 : i32
    %cond3A_12 = arith.cmpi ne, %convert_element_type3A, %cond3A : i32
    scf.if %cond3A_12 {
      %swap3A_22 = arith.constant 0 : index
      %swap3A_23 = arith.constant 0 : index
      %swap3A_24 = memref.load %arg5[%swap3A_22, %swap3A_23] : memref<1x1xf32, #tpu.memory_space<smem>>
      memref.store %reduce_sum3A_10, %arg5[%swap3A_22, %swap3A_23] : memref<1x1xf32, #tpu.memory_space<smem>>
    } else {
    }
    %gt3A = arith.constant 0 : i32
    %gt3A_13 = arith.cmpi sgt, %arg0, %gt3A : i32
    %convert_element_type3A_14 = arith.extui %gt3A_13 : i1 to i32
    %cond3A_15 = arith.constant 0 : i32
    %cond3A_16 = arith.cmpi ne, %convert_element_type3A_14, %cond3A_15 : i32
    scf.if %cond3A_16 {
      %get3A_22 = arith.constant 0 : index
      %get3A_23 = arith.constant 0 : index
      %get3A_24 = memref.load %arg5[%get3A_22, %get3A_23] : memref<1x1xf32, #tpu.memory_space<smem>>
      %add3A_25 = arith.addf %get3A_24, %reduce_sum3A_10 : f32
      %swap3A_26 = arith.constant 0 : index
      %swap3A_27 = arith.constant 0 : index
      %swap3A_28 = memref.load %arg5[%swap3A_26, %swap3A_27] : memref<1x1xf32, #tpu.memory_space<smem>>
      memref.store %add3A_25, %arg5[%swap3A_26, %swap3A_27] : memref<1x1xf32, #tpu.memory_space<smem>>
    } else {
    }
    %eq3A_17 = arith.constant 7 : i32
    %eq3A_18 = arith.cmpi eq, %arg0, %eq3A_17 : i32
    %convert_element_type3A_19 = arith.extui %eq3A_18 : i1 to i32
    %cond3A_20 = arith.constant 0 : i32
    %cond3A_21 = arith.cmpi ne, %convert_element_type3A_19, %cond3A_20 : i32
    scf.if %cond3A_21 {
      %get3A_22 = arith.constant 0 : index
      %get3A_23 = arith.constant 0 : index
      %get3A_24 = memref.load %arg5[%get3A_22, %get3A_23] : memref<1x1xf32, #tpu.memory_space<smem>>
      %mul3A_25 = arith.constant 3.81469727E-6 : f32
      %mul3A_26 = arith.mulf %get3A_24, %mul3A_25 : f32
      %mul3A_27 = arith.constant 2.500000e-01 : f32
      %mul3A_28 = arith.mulf %mul3A_27, %mul3A_26 : f32
      %add3A_29 = arith.addf %mul3A_26, %mul3A_28 : f32
      %swap3A_30 = arith.constant 0 : index
      %swap3A_31 = arith.constant 0 : index
      %swap3A_32 = memref.load %arg4[%swap3A_30, %swap3A_31] : memref<1x1xf32, #tpu.memory_space<smem>>
      memref.store %add3A_29, %arg4[%swap3A_30, %swap3A_31] : memref<1x1xf32, #tpu.memory_space<smem>>
    } else {
    }
    return
  }
  func.func @transform_0(%arg0: i32) -> (i32, i32) {
    %c0_i32 = arith.constant 0 : i32
    %c0_i32_0 = arith.constant 0 : i32
    return %arg0, %c0_i32 : i32, i32
  }
  func.func @transform_1(%arg0: i32) -> (i32, i32) {
    %c0_i32 = arith.constant 0 : i32
    %c0_i32_0 = arith.constant 0 : i32
    return %arg0, %c0_i32 : i32, i32
  }
  func.func @transform_2(%arg0: i32) -> (i32, i32) {
    %c0_i32 = arith.constant 0 : i32
    %c0_i32_0 = arith.constant 0 : i32
    return %arg0, %c0_i32 : i32, i32
  }
  func.func @transform_3(%arg0: i32) -> (i32, i32) {
    %c0_i32 = arith.constant 0 : i32
    %c0_i32_0 = arith.constant 0 : i32
    %c0_i32_1 = arith.constant 0 : i32
    return %c0_i32, %c0_i32_0 : i32, i32
  }
}

</mosaic_0001>

<sc_bundles>
// kernel: kernel.5.cloned.1.call-start
scs
__scs_entry_jumppad:
0x0: {  	(pc) =	sbr.rel $0x88, $3  }
0x1: {  	(tag) =	ssettag $0x0;
	lr =	simm.s32 $0x1  }
0x2: {  	[smem:$0x3F9F] =	sst lr;
	_ =	strace $0xD0000000  }
0x3: {  	_ = 	snop  }
0x4: {  	_ = 	snop  }
0x5: {  	_ = 	snop  }
0x6: {  	_ = 	snop  }
0x7: {  	_ = 	snop  }
__scs_overlays_trampoline_lowered:
0x8: {  	[smem:$0x3FAE] =	sst s0  }
0x9: {  	[smem:$0x3FAF] =	sst s1  }
0xa: {  	[smem:$0x3FB0] =	sst s2  }
0xb: {  	[smem:$0x3FB1] =	sst s3  }
0xc: {  	[smem:$0x3FB2] =	sst s4  }
0xd: {  	[smem:$0x3FB3] =	sst s5  }
0xe: {  	[smem:$0x3FB4] =	sst s6  }
0xf: {  	[smem:$0x3FB5] =	sst s7  }
0x10: {  	[smem:$0x3FB6] =	sst s8  }
0x11: {  	[smem:$0x3FB7] =	sst s9;
	s0 =	simm.s32 @!p0 $0x0  }
0x12: {  	s1 =	sld [smem:$0x3F9D];
	s0 =	simm.s32 @p0 $0x1  }
0x13: {  	[smem:$0x3FB8] =	sst s0;
	s0 =	simm.s32 @!p1 $0x0  }
0x14: {  	s2 =	sld [smem:$0x3F9C];
	s0 =	simm.s32 @p1 $0x1  }
0x15: {  	[smem:$0x3FB9] =	sst s0;
	s0 =	simm.s32 @!p2 $0x0  }
0x16: {  	s3 =	sld [smem:$0x3FDB];
	s0 =	simm.s32 @p2 $0x1  }
0x17: {  	s4 =	simm.s32 $0x1BF5;
	[smem:$0x3FBB] =	sst s0  }
0x18: {  	s0 =	sld [smem:$0x3F9E];
	_ =	swait.ge [sflag:s4], $0x0  }
0x19: {  	s7 =	sld [smem:$0x3F9F]  }
0x1a: {  	s8 =	sadd.s32 $0xFFFFE003, lr  }
0x1b: {  	s9 =	sadd.s32 $0xFFFFFEF7, lr;
	s5 =	simm.s32 $0xFFFFFFFF;
	p2 =	slt.u32 s8, $0xFFFFF086  }
0x1c: {  	p1 =	slt.u32 s9, $0xF7A;
	s5 =	simm.s32 @!p2 $0x0  }
0x1d: {  	s5 =	simm.s32 @p1 $0x1;
	p0 =	seq.s32 s7, s2  }
0x1e: {  	s7 =	smul.u32 @!p0 $0xF7A, s2;
	p2 =	seq.s32 @!p0 s5, $0x0  }
0x1f: {  	s9 =	smul.u32 $0xF7A, s1;
	s8 =	simm.s32 @!p0 $0x1BF5;
	p2 =	por !p2, p0  }
0x20: {  	[sflag:s8] =	ssyncset.s32 @!p0 $0xFFFFF086;
	s6 =	sadd.s32 @!p0 s3, s7;
	s7 =	simm.s32 @!p0 $0x108  }
0x21: {  	s3 =	sadd.s32 s3, s9;
	s6 =	sadd.s32 @!p0 $0x88, s6;
	s7 =	simm.s32 @p2 $0x1082  }
0x22: {  	[simem:s7], [sflag:s8] =	dma.local @!p0 [hbm:s6], $0xF7A  }
0x23: {  	s9 =	sor.u32 $0xD0000000, s2;
	s6 =	simm.s32 $0x108;
	_ =	swait.ge @!p0 [sflag:s8], $0x0  }
0x24: {  	s3 =	sadd.s32 $0x88, s3;
	s6 =	simm.s32 @!p1 $0x1082;
	[sflag:s4] =	ssyncset.s32 $0xFFFFF086  }
0x25: {  	[simem:s6], [sflag:s4] =	dma.local [hbm:s3], $0xF7A  }
0x26: {  	[smem:$0x3F9F] =	sst s1;
	(tag) =	ssettag s2;
	_ =	strace s9  }
0x27: {  	s1 =	sld [smem:$0x3FAF]  }
0x28: {  	s2 =	sld [smem:$0x3FB0]  }
0x29: {  	s4 =	sld [smem:$0x3FB2]  }
0x2a: {  	p0 =	seq.s32 s5, $0x0;
	s5 =	sld [smem:$0x3FB3]  }
0x2b: {  	s6 =	sld [smem:$0x3FB4]  }
0x2c: {  	s7 =	sld [smem:$0x3FB5]  }
0x2d: {  	s3 =	simm.s32 $0x108;
	s8 =	sld [smem:$0x3FB6]  }
0x2e: {  	s3 =	simm.s32 @!p0 $0x1082;
	s9 =	sld [smem:$0x3FB7]  }
0x2f: {  	lr =	sadd.s32 s0, s3;
	s0 =	sld [smem:$0x3FAE]  }
0x30: {  	s3 =	sld [smem:$0x3FB1]  }
0x31: {  	[smem:$0x3FBA] =	sst s10  }
0x32: {  	s10 =	sld [smem:$0x3FB8];
	_ =	sdelay $0x3  }
0x33: {  	p0 =	seq.s32 s10, $0x1;
	s10 =	sld [smem:$0x3FBA];
	_ =	sdelay $0x3  }
0x34: {  	[smem:$0x3FBA] =	sst s10  }
0x35: {  	s10 =	sld [smem:$0x3FB9];
	_ =	sdelay $0x3  }
0x36: {  	p1 =	seq.s32 s10, $0x1;
	s10 =	sld [smem:$0x3FBA];
	_ =	sdelay $0x3  }
0x37: {  	[smem:$0x3FBA] =	sst s10  }
0x38: {  	s10 =	sld [smem:$0x3FBB]  }
0x39: {  	_ = 	snop;
	(pc) =	sbr.ind lr, $3  }
0x3a: {  	_ = 	snop  }
0x3b: {  	_ = 	snop  }
0x3c: {  	p2 =	seq.s32 s10, $0x1;
	s10 =	sld [smem:$0x3FBA]  }
0x3d: {  	_ =	shalt  }
0x3e: {  	_ =	shalt  }
0x3f: {  	_ =	shalt  }
0x40: {  	_ =	shalt  }
0x41: {  	_ =	shalt  }
0x42: {  	_ =	shalt  }
0x43: {  	_ =	shalt  }
0x44: {  	_ =	shalt  }
0x45: {  	_ =	shalt  }
0x46: {  	_ =	shalt  }
0x47: {  	_ =	shalt  }
0x48: {  	_ =	shalt  }
0x49: {  	_ =	shalt  }
0x4a: {  	_ =	shalt  }
0x4b: {  	_ =	shalt  }
0x4c: {  	_ =	shalt  }
0x4d: {  	_ =	shalt  }
0x4e: {  	_ =	shalt  }
0x4f: {  	_ =	shalt  }
0x50: {  	_ =	shalt  }
0x51: {  	_ =	shalt  }
0x52: {  	_ =	shalt  }
0x53: {  	_ =	shalt  }
0x54: {  	_ =	shalt  }
0x55: {  	_ =	shalt  }
0x56: {  	_ =	shalt  }
0x57: {  	_ =	shalt  }
0x58: {  	_ =	shalt  }
0x59: {  	_ =	shalt  }
0x5a: {  	_ =	shalt  }
0x5b: {  	_ =	shalt  }
0x5c: {  	_ =	shalt  }
0x5d: {  	_ =	shalt  }
0x5e: {  	_ =	shalt  }
0x5f: {  	_ =	shalt  }
0x60: {  	_ =	shalt  }
0x61: {  	_ =	shalt  }
0x62: {  	_ =	shalt  }
0x63: {  	_ =	shalt  }
0x64: {  	_ =	shalt  }
0x65: {  	_ =	shalt  }
0x66: {  	_ =	shalt  }
0x67: {  	_ =	shalt  }
0x68: {  	_ =	shalt  }
0x69: {  	_ =	shalt  }
0x6a: {  	_ =	shalt  }
0x6b: {  	_ =	shalt  }
0x6c: {  	_ =	shalt  }
0x6d: {  	_ =	shalt  }
0x6e: {  	_ =	shalt  }
0x6f: {  	_ =	shalt  }
0x70: {  	_ =	shalt  }
0x71: {  	_ =	shalt  }
0x72: {  	_ =	shalt  }
0x73: {  	_ =	shalt  }
0x74: {  	_ =	shalt  }
0x75: {  	_ =	shalt  }
0x76: {  	_ =	shalt  }
0x77: {  	_ =	shalt  }
0x78: {  	_ =	shalt  }
0x79: {  	_ =	shalt  }
0x7a: {  	_ =	shalt  }
0x7b: {  	_ =	shalt  }
0x7c: {  	_ =	shalt  }
0x7d: {  	_ =	shalt  }
0x7e: {  	_ =	shalt  }
0x7f: {  	_ =	shalt  }
0x80: {  	_ =	shalt  }
0x81: {  	_ =	shalt  }
0x82: {  	_ =	shalt  }
0x83: {  	_ =	shalt  }
0x84: {  	_ =	shalt  }
0x85: {  	_ =	shalt  }
0x86: {  	_ =	shalt  }
0x87: {  	_ =	shalt  }
.Lfunc_end0:
.L_simem_size_0:
called_computation_lowered:
.L_overlay_start_0:
0x88: {  	s2 =	sld [smem:$0x3FD9]  }
0x89: {  	s3 =	sld [smem:$0x3FFE];
	_ =	sdelay $0x1  }
0x8a: {  	s1 =	srdreg.scid  }
0x8b: {  	s0 =	sand.u32 $0x1, s1  }
0x8c: {  	s14 =	sshll.u32 s0, $0xA;
	s2 =	sadd.s32 s3, s2  }
0x8d: {  	s2 =	sadd.s32 s2, s14  }
0x8e: {  	[smem:$0x3FC6] =	sst s2  }
0x8f: {  	_ = 	snop  }
0x90: {  	s2 =	sld [smem:$0x3FD0];
	_ =	sdelay $0x2  }
0x91: {  	s15 =	simm.s32 $0xA;
	s4 =	simm.s32 $0x10  }
0x92: {  	[smem:s4], [sflag:s15] =	dma.local [hbm:s2], $0x1  }
0x93: {  	_ =	swait.eq [sflag:s15], $0x1  }
0x94: {  	[sflag:s15] =	ssyncset.done $0x0  }
0x95: {  	[sflag:s15] =	ssyncadd.s32 $0xFFFFFFFF  }
0x96: {  	s16 =	sld [smem:$0x10];
	(tm) =	ssettm $0x1  }
0x97: {  	s17 =	sld [smem:$0x3FFB];
	_ =	sdelay $0x3  }
0x98: {  	_ =	strace s17  }
0x99: {  	s3 =	sld [smem:$0x3FFC];
	_ =	sdelay $0x3  }
0x9a: {  	_ =	strace s3  }
0x9b: {  	s3 =	sld [smem:$0x3FFD];
	_ =	sdelay $0x3  }
0x9c: {  	_ =	strace s3  }
0x9d: {  	_ =	strace $0x8FFFFFFF  }
0x9e: {  	s18 =	sld [smem:$0x3FDB];
	_ =	sdelay $0x1  }
0x9f: {  	s19 =	simm.s32 $_scs_section_size  }
0xa0: {  	s5 =	simm.s32 $_size__tile_overlayer_lowered;
	s6 =	simm.s32 $_tile_overlayer_lowered  }
0xa1: {  	s22 =	simm.s32 $0x1BFF;
	s21 =	sshll.u32 s6, $0x1;
	s3 =	sadd.s32 s19, s18  }
0xa2: {  	s7 =	simm.s32 $0x0;
	s20 =	sshll.u32 s5, $0x1;
	s5 =	sadd.s32 s21, s3  }
0xa3: {  	[timem:s7], [sflag:s22] =	dma.local [hbm:s5], s20  }
0xa4: {  	_ =	swait.ge [sflag:s22], s20  }
0xa5: {  	s4 =	ssub.s32 $0x0, s20;
	[sflag:s22] =	ssyncset.done $0x0  }
0xa6: {  	[sflag:s22] =	ssyncadd.s32 s4;
	_ =	sdelay $0x1  }
0xa7: {  	s23 =	simm.s32 $0x1B8B  }
0xa8: {  	_ =	swait.ge [sflag:s23], $0x1  }
0xa9: {  	[sflag:s23] =	ssyncset.done $0x0  }
0xaa: {  	s25 =	simm.s32 $0x1B8E;
	s24 =	sld [smem:$0x3FFE];
	[sflag:s23] =	ssyncadd.s32 $0xFFFFFFFF  }
0xab: {  	s26 =	simm.s32 $execute0_lowered;
	[smem:$0x3FD2] =	sst s25  }
0xac: {  	s5 =	sshll.u32 s26, $0x1;
	_ =	strace $0x80000046;
	[dreg:$0x1] =	wrdreg $0xFFFFFFFF  }
0xad: {  	s28 =	simm.s32 $_size_execute0_lowered;
	s3 =	sadd.s32 s3, s5;
	[dreg:$0x0] =	wrdreg $0x0  }
0xae: {  	s5 =	sshll.u32 s28, $0x1;
	[dreg:$0x2] =	wrdreg s3  }
0xaf: {  	[dreg:$0x3] =	wrdreg s5  }
0xb0: {  	[dreg:$0x4] =	wrdreg $0xC0  }
0xb1: {  	_ =	task [dreg:s7], $0x5FFFF  }
0xb2: {  	[dreg:$0x1] =	wrdreg $0xFFFFFFFF  }
0xb3: {  	[dreg:$0x0] =	wrdreg $0x60  }
0xb4: {  	[dreg:$0x2] =	wrdreg s24  }
0xb5: {  	[dreg:$0x3] =	wrdreg s16  }
0xb6: {  	[dreg:$0x4] =	wrdreg $0x9  }
0xb7: {  	_ =	task.clear_ibuf [dreg:s7], $0x5FFFF;
	_ =	strace $0x90000046  }
0xb8: {  	s29 =	simm.s32 $0x9;
	_ =	strace $0x80000048  }
0xb9: {  	_ =	swait.ge [sflag:s29], $0x1  }
0xba: {  	[sflag:s29] =	ssyncadd.s32 $0xFFFFFFFF  }
0xbb: {  	_ =	strace $0x90000048  }
0xbc: {  	_ =	sfence  }
0xbd: {  	s30 =	sld [smem:$0x0];
	_ =	sdelay $0x2  }
0xbe: {  	s31 =	sshll.u32 s1, $0xD;
	s1 =	sshrl.u32 s1, $0x2  }
0xbf: {  	s3 =	sand.u32 $0x4000, s31;
	s1 =	sadd.s32 s1, s30  }
0xc0: {  	s0 =	sor.u32 s3, s0;
	s1 =	sshll.u32 s1, $0x11  }
0xc1: {  	s0 =	sor.u32 s1, s0  }
0xc2: {  	s0 =	sadd.s32 $0x8F2B, s0  }
0xc3: {  	[sflag:s0] =	ssyncadd.remote.s32 $0x1  }
0xc4: {  	_ =	sfence.sel $0xFFFF  }
0xc5: {  	[dreg:$0x0] =	wrdreg $0xFFFFFFFF;
	(pc) =	sbr.abs _section_cstart, $3  }
0xc6: {  	[dreg:$0x1] =	wrdreg $0xFFFFFFFF  }
0xc7: {  	_ =	task.clear_ibuf [dreg:s7], $0x2FFFF;
	_ =	strace $0x9FFFFFFF  }
0xc8: {  	(tm) =	ssettm $0x7FFFFFFF  }
0xc9: {  	_ =	shalt  }
tec
execute0_lowered:
.L_overlay_start_1:
0x0: {  	(tag) =	ssettag $0x1  }
0x1: {  	s5 =	rddreg [dreg:$0x0]  }
0x2: {  	s6 =	rddreg [dreg:$0x1]  }
0x3: {  	s0 =	rddreg [dreg:$0x2]  }
0x4: {  	s3 =	srdreg.scid;
	s1 =	stileid.u32  }
0x5: {  	s2 =	simm.s32 $0x0;
	s10 =	simm.s32 $0x10800;
	s11 =	simm.s32 $0x0  }
0x6: {  	s3 =	sand.u32 $0x1, s3;
	s4 =	sshll.u32 s1, $0x1;
	[smem:$0x7FF] =	sst s2  }
0x7: {  	s7 =	sor.u32 s3, s4;
	s31 =	ssub.s32 $0x2, s3;
	_ =	strace $0x80000047  }
0x8: {  	s3 =	sadd.s32 $0x280200, s5;
	s8 =	sshll.u32 s7, $0x8;
	s9 =	sshrl.u32 s31, $0x1  }
0x9: {  	s7 =	sshll.u32 s7, $0xA;
	s8 =	sadd.s32 s8, s5;
	s9 =	ssub.s32 s31, s9  }
0xa: {  	s5 =	sadd.s32 $0x282200, s5;
	s6 =	sadd.s32 s6, s7;
	s4 =	sadd.s32 $0x200, s8  }
0xb: {  	s7 =	smax.u32 s9, $0x1;
	s8 =	simm.s32 $0x1;
	s9 =	simm.s32 $0x800  }
.LBB2_1:
0xc: {  	[tilespmem:s2], [sflag:$0x1] =	stream.linear.gather [hbm4b:s4+s2], $0x800, $0x38;
	[tilespmem:$0x12800] =	vst v63  }
0xd: {  	_ =	swait.ge [sflag:s8], $0x800  }
0xe: {  	[sflag:s8] =	ssyncset.done $0x0  }
0xf: {  	[sflag:s8] =	ssyncadd.s32 $0xFFFFF800  }
0x10: {  	[tilespmem:s9], [sflag:$0x1] =	stream.linear.gather [hbm4b:s3+s2], $0x10000, $0x38;
	[tilespmem:$0x12800] =	vst v63  }
0x11: {  	_ =	swait.ge [sflag:s8], $0x10000  }
0x12: {  	[sflag:s8] =	ssyncset.done $0x0  }
0x13: {  	s12 =	simm.s32 $0x0;
	[sflag:s8] =	ssyncadd.s32 $0xFFFF0000  }
0x14: {  	v1 =	vld [tilespmem:s12+$0x0];
	_ =	sdelay $0x4  }
0x15: {  	vm0 =	vgt.s32 v1, $0x0  }
0x16: {  	v0 =	vnsel vm0, $0x0, v1  }
0x17: {  	v0 =	vmin.u32 v0, $0x3FFF  }
0x18: {  	v0 =	vshll.u32 v0, $0x2;
	_ =	sdelay $0x4  }
0x19: {  	v2 =	vld.idx.msk [tilespmem:v0+s9+$0x0], $0xffff;
	_ =	sdelay $0x1  }
0x1a: {  	v3 =	vor.u32 $0x1, v0;
	_ =	sdelay $0x1  }
0x1b: {  	vm0 =	vlt.u32 v1, $0x4000  }
0x1c: {  	v1 =	vnsel vm0, $0x0, v2  }
0x1d: {  	[tilespmem:s12+$0x10800] =	vst v1  }
0x1e: {  	v1 =	vld.idx.msk [tilespmem:v3+s9+$0x0], $0xffff;
	_ =	sdelay $0x1  }
0x1f: {  	v2 =	vor.u32 $0x2, v0;
	_ =	sdelay $0x2  }
0x20: {  	v1 =	vnsel vm0, $0x0, v1  }
0x21: {  	[tilespmem:s12+$0x11000] =	vst v1  }
0x22: {  	v1 =	vld.idx.msk [tilespmem:v2+s9+$0x0], $0xffff  }
0x23: {  	s14 =	simm.s32 $0x10;
	s13 =	simm.s32 $0x80  }
.LBB2_2:
0x24: {  	p0 =	sne.s32 s13, $0x1FC0;
	v2 =	vld [tilespmem:s14+$0x0];
	v0 =	vor.u32 $0x3, v0;
	_ =	sdelay $0x2  }
0x25: {  	v1 =	vnsel vm0, $0x0, v1  }
0x26: {  	[tilespmem:s12+$0x11800] =	vst v1  }
0x27: {  	vm1 =	vgt.s32 v2, $0x0;
	v1 =	vld.idx.msk [tilespmem:v0+s9+$0x0], $0xffff  }
0x28: {  	v0 =	vnsel vm1, $0x0, v2  }
0x29: {  	v0 =	vmin.u32 v0, $0x3FFF  }
0x2a: {  	v0 =	vshll.u32 v0, $0x2;
	_ =	sdelay $0x2  }
0x2b: {  	v1 =	vnsel vm0, $0x0, v1  }
0x2c: {  	[tilespmem:s12+$0x12000] =	vst v1;
	s12 =	smov.u32 s14  }
0x2d: {  	v1 =	vld.idx.msk [tilespmem:v0+s9+$0x0], $0xffff;
	_ =	sdelay $0x2  }
0x2e: {  	v3 =	vor.u32 $0x1, v0;
	_ =	sdelay $0x1  }
0x2f: {  	vm0 =	vlt.u32 v2, $0x4000  }
0x30: {  	v1 =	vnsel vm0, $0x0, v1  }
0x31: {  	[tilespmem:s12+$0x10800] =	vst v1  }
0x32: {  	v1 =	vld.idx.msk [tilespmem:v3+s9+$0x0], $0xffff;
	_ =	sdelay $0x2  }
0x33: {  	v2 =	vor.u32 $0x2, v0;
	_ =	sdelay $0x2  }
.Ltmp0:
0x34: {  	v1 =	vnsel vm0, $0x0, v1;
	(pc) =	sbr.rel @p0 .LBB2_2-.Ltmp0, $3  }
0x35: {  	[tilespmem:s12+$0x11000] =	vst v1  }
0x36: {  	v1 =	vld.idx.msk [tilespmem:v2+s9+$0x0], $0xffff;
	_ =	sdelay $0x1  }
0x37: {  	s14 =	sshra.s32 s13, $0x2;
	s13 =	sadd.s32 $0x40, s13  }
0x38: {  	v2 =	vld [tilespmem:s14+$0x0]  }
0x39: {  	v0 =	vor.u32 $0x3, v0;
	_ =	sdelay $0x2  }
0x3a: {  	v1 =	vnsel vm0, $0x0, v1  }
0x3b: {  	[tilespmem:s12+$0x11800] =	vst v1;
	vm1 =	vgt.s32 v2, $0x0  }
0x3c: {  	v0 =	vld.idx.msk [tilespmem:v0+s9+$0x0], $0xffff;
	v1 =	vnsel vm1, $0x0, v2  }
0x3d: {  	v1 =	vmin.u32 v1, $0x3FFF  }
0x3e: {  	v1 =	vshll.u32 v1, $0x2;
	_ =	sdelay $0x2  }
0x3f: {  	v0 =	vnsel vm0, $0x0, v0  }
0x40: {  	[tilespmem:s12+$0x12000] =	vst v0  }
0x41: {  	v0 =	vld.idx.msk [tilespmem:v1+s9+$0x0], $0xffff;
	_ =	sdelay $0x1  }
0x42: {  	v3 =	vor.u32 $0x1, v1;
	_ =	sdelay $0x1  }
0x43: {  	vm0 =	vlt.u32 v2, $0x4000  }
0x44: {  	v0 =	vnsel vm0, $0x0, v0  }
0x45: {  	[tilespmem:s14+$0x10800] =	vst v0  }
0x46: {  	v0 =	vld.idx.msk [tilespmem:v3+s9+$0x0], $0xffff;
	_ =	sdelay $0x1  }
0x47: {  	v2 =	vor.u32 $0x2, v1;
	_ =	sdelay $0x2  }
0x48: {  	v0 =	vnsel vm0, $0x0, v0  }
0x49: {  	[tilespmem:s14+$0x11000] =	vst v0  }
0x4a: {  	v0 =	vld.idx.msk [tilespmem:v2+s9+$0x0], $0xffff;
	_ =	sdelay $0x1  }
0x4b: {  	v1 =	vor.u32 $0x3, v1;
	_ =	sdelay $0x2  }
0x4c: {  	v0 =	vnsel vm0, $0x0, v0  }
0x4d: {  	[tilespmem:s14+$0x11800] =	vst v0  }
0x4e: {  	v0 =	vld.idx.msk [tilespmem:v1+s9+$0x0], $0xffff;
	_ =	sdelay $0x4  }
0x4f: {  	v0 =	vnsel vm0, $0x0, v0  }
0x50: {  	s31 =	simm.s32 $0x0;
	[tilespmem:s14+$0x12000] =	vst v0  }
0x51: {  	[tilespmem:s9], [sflag:$0x1] =	stream.linear.gather [hbm4b:s5+s31], $0x10000, $0x38;
	[tilespmem:$0x12800] =	vst v63  }
0x52: {  	_ =	swait.ge [sflag:s8], $0x10000  }
0x53: {  	[sflag:s8] =	ssyncset.done $0x0  }
0x54: {  	s12 =	simm.s32 $0x0;
	[sflag:s8] =	ssyncadd.s32 $0xFFFF0000  }
0x55: {  	v1 =	vld [tilespmem:s12+$0x0];
	_ =	sdelay $0x4  }
0x56: {  	v0 =	vadd.s32 $0xFFFFC000, v1  }
0x57: {  	vm0 =	vgt.s32 v0, $0x0  }
0x58: {  	v0 =	vnsel vm0, $0x0, v0  }
0x59: {  	v0 =	vmin.u32 v0, $0x3FFF  }
0x5a: {  	v0 =	vshll.u32 v0, $0x2;
	_ =	sdelay $0x3  }
0x5b: {  	v3 =	vld [tilespmem:s12+$0x10800]  }
0x5c: {  	v2 =	vld.idx.msk [tilespmem:v0+s9+$0x0], $0xffff;
	_ =	sdelay $0x1  }
0x5d: {  	v4 =	vor.u32 $0x1, v0  }
0x5e: {  	v1 =	vand.u32 $0xFFFFC000, v1  }
0x5f: {  	vm0 =	veq.s32 v1, $0x4000  }
0x60: {  	v1 =	vsel vm0, v2, v3  }
0x61: {  	v2 =	vld [tilespmem:s12+$0x11000];
	[tilespmem:s12+$0x10800] =	vst v1  }
0x62: {  	v1 =	vld.idx.msk [tilespmem:v4+s9+$0x0], $0xffff;
	_ =	sdelay $0x1  }
0x63: {  	v3 =	vor.u32 $0x2, v0;
	_ =	sdelay $0x2  }
0x64: {  	v1 =	vsel vm0, v1, v2  }
0x65: {  	v2 =	vld [tilespmem:s12+$0x11800];
	[tilespmem:s12+$0x11000] =	vst v1  }
0x66: {  	s13 =	simm.s32 $0x10;
	s14 =	simm.s32 $0x80;
	v1 =	vld.idx.msk [tilespmem:v3+s9+$0x0], $0xffff  }
.LBB2_4:
0x67: {  	p0 =	sne.s32 s14, $0x1FC0;
	v3 =	vld [tilespmem:s13+$0x0]  }
0x68: {  	v0 =	vor.u32 $0x3, v0;
	_ =	sdelay $0x2  }
0x69: {  	v1 =	vsel vm0, v1, v2  }
0x6a: {  	v2 =	vadd.s32 $0xFFFFC000, v3;
	[tilespmem:s12+$0x11800] =	vst v1  }
0x6b: {  	vm1 =	vgt.s32 v2, $0x0;
	v1 =	vld.idx.msk [tilespmem:v0+s9+$0x0], $0xffff  }
0x6c: {  	v0 =	vnsel vm1, $0x0, v2;
	v2 =	vld [tilespmem:s12+$0x12000]  }
0x6d: {  	v0 =	vmin.u32 v0, $0x3FFF  }
0x6e: {  	v0 =	vshll.u32 v0, $0x2;
	_ =	sdelay $0x2  }
0x6f: {  	v1 =	vsel vm0, v1, v2  }
0x70: {  	[tilespmem:s12+$0x12000] =	vst v1;
	s12 =	smov.u32 s13  }
0x71: {  	v1 =	vld.idx.msk [tilespmem:v0+s9+$0x0], $0xffff  }
0x72: {  	v2 =	vld [tilespmem:s12+$0x10800];
	_ =	sdelay $0x1  }
0x73: {  	v4 =	vor.u32 $0x1, v0  }
0x74: {  	v3 =	vand.u32 $0xFFFFC000, v3  }
0x75: {  	vm0 =	veq.s32 v3, $0x4000  }
0x76: {  	v1 =	vsel vm0, v1, v2  }
0x77: {  	[tilespmem:s12+$0x10800] =	vst v1  }
0x78: {  	v1 =	vld.idx.msk [tilespmem:v4+s9+$0x0], $0xffff  }
0x79: {  	v2 =	vld [tilespmem:s12+$0x11000];
	_ =	sdelay $0x1  }
0x7a: {  	v3 =	vor.u32 $0x2, v0;
	_ =	sdelay $0x1  }
.Ltmp1:
0x7b: {  	(pc) =	sbr.rel @p0 .LBB2_4-.Ltmp1, $4  }
0x7c: {  	v1 =	vsel vm0, v1, v2  }
0x7d: {  	[tilespmem:s12+$0x11000] =	vst v1  }
0x7e: {  	v1 =	vld.idx.msk [tilespmem:v3+s9+$0x0], $0xffff  }
0x7f: {  	s13 =	sshra.s32 s14, $0x2;
	s14 =	sadd.s32 $0x40, s14;
	v2 =	vld [tilespmem:s12+$0x11800]  }
0x80: {  	v3 =	vld [tilespmem:s13+$0x0]  }
0x81: {  	v0 =	vor.u32 $0x3, v0;
	_ =	sdelay $0x2  }
0x82: {  	v1 =	vsel vm0, v1, v2  }
0x83: {  	v58 =	vld [tilespmem:s12+$0x12000];
	v56 =	vadd.s32 $0xFFFFC000, v3;
	[tilespmem:s12+$0x11800] =	vst v1  }
0x84: {  	vm1 =	vgt.s32 v56, $0x0;
	v0 =	vld.idx.msk [tilespmem:v0+s9+$0x0], $0xffff  }
0x85: {  	v57 =	vnsel vm1, $0x0, v56  }
0x86: {  	v1 =	vmin.u32 v57, $0x3FFF  }
0x87: {  	v1 =	vshll.u32 v1, $0x2;
	_ =	sdelay $0x1  }
0x88: {  	v0 =	vsel vm0, v0, v58  }
0x89: {  	[tilespmem:s12+$0x12000] =	vst v0  }
0x8a: {  	v59 =	vld [tilespmem:s13+$0x10800]  }
0x8b: {  	v0 =	vld.idx.msk [tilespmem:v1+s9+$0x0], $0xffff;
	_ =	sdelay $0x1  }
0x8c: {  	v4 =	vor.u32 $0x1, v1  }
0x8d: {  	v3 =	vand.u32 $0xFFFFC000, v3  }
0x8e: {  	vm15 =	veq.s32 v3, $0x4000  }
0x8f: {  	v0 =	vsel vm15, v0, v59  }
0x90: {  	v60 =	vld [tilespmem:s13+$0x11000];
	[tilespmem:s13+$0x10800] =	vst v0  }
0x91: {  	v0 =	vld.idx.msk [tilespmem:v4+s9+$0x0], $0xffff;
	_ =	sdelay $0x1  }
0x92: {  	v61 =	vor.u32 $0x2, v1;
	_ =	sdelay $0x2  }
0x93: {  	v0 =	vsel vm15, v0, v60  }
0x94: {  	v62 =	vld [tilespmem:s13+$0x11800];
	[tilespmem:s13+$0x11000] =	vst v0  }
0x95: {  	v0 =	vld.idx.msk [tilespmem:v61+s9+$0x0], $0xffff;
	_ =	sdelay $0x1  }
0x96: {  	v1 =	vor.u32 $0x3, v1;
	_ =	sdelay $0x2  }
0x97: {  	v0 =	vsel vm15, v0, v62  }
0x98: {  	v63 =	vld [tilespmem:s13+$0x12000];
	[tilespmem:s13+$0x11800] =	vst v0  }
0x99: {  	v0 =	vld.idx.msk [tilespmem:v1+s9+$0x0], $0xffff;
	_ =	sdelay $0x3  }
0x9a: {  	s11 =	sadd.s32 $0x1, s11  }
0x9b: {  	p0 =	sne.s32 s11, s7;
	v0 =	vsel vm15, v0, v63  }
.Ltmp2:
0x9c: {  	[tilespmem:s13+$0x12000] =	vst v0;
	(pc) =	sbr.rel @p0 .LBB2_1-.Ltmp2, $4  }
0x9d: {  	[hbm4b:s6+s2] =	stream.linear.scatter [tilespmem:s10], [sflag:$0x1], $0x2000, $0x38;
	[tilespmem:$0x12800] =	vst v63  }
0x9e: {  	_ =	swait.ge [sflag:s8], $0x2000  }
0x9f: {  	[sflag:s8] =	ssyncset.done $0x0  }
0xa0: {  	[sflag:s8] =	ssyncadd.s32 $0xFFFFE000  }
0xa1: {  	_ =	sfence.sel $0x180000  }
0xa2: {  	[bflag:$0x0] =	sbarrier.arrive $0xFFFF  }
0xa3: {  	p0 =	sne.s32 s1, $0x0;
	_ =	strace $0x90000047  }
0xa4: {  	s0 =	sadd.s32 @!p0 $0x100000, s0;
	[bflag:$0x2] =	sbarrier.arrive $0xFFFF  }
0xa5: {  	[sflag:s0] =	ssyncadd.tile.s32 @!p0 $0x1;
	_ =	shalt  }
.Lfunc_end2:
_tile_overlayer_lowered:
.L_overlay_start_2:
0xa6: {  	(tag) =	ssettag $0x2  }
0xa7: {  	s0 =	rddreg [dreg:$0x0];
	s2 =	stileid.u32  }
0xa8: {  	s1 =	rddreg [dreg:$0x1];
	p0 =	sne.s32 s2, $0x0  }
0xa9: {  	s3 =	rddreg [dreg:$0x2];
	[bflag:$0x3] =	sbarrier.arrive $0xFFFF;
	s2 =	simm.s32 @!p0 $0x1C01  }
0xaa: {  	[timem:s3], [sflag:s2] =	dma.local @!p0 [hbm:s0], s1  }
0xab: {  	s0 =	simm.s32 @!p0 $0x1  }
0xac: {  	_ =	swait.ge @!p0 [sflag:s0], s1  }
0xad: {  	s1 =	ssub.s32 @!p0 $0x0, s1;
	[sflag:s0] =	ssyncset.done @!p0 $0x0  }
0xae: {  	[sflag:s0] =	ssyncadd.s32 @!p0 s1  }
0xaf: {  	[bflag:$0x3] =	sbarrier.arrive $0xFFFF  }
0xb0: {  	_ =	shalt  }

</sc_bundles>
